<compile_context>
chip_gen: v7x
topology: tpu7x:2x2x1
jax: 0.10.2.dev20260603
libtpu: 0.0.44.dev20260713+nightly
codegen_flags: <defaults>
</compile_context>

<pallas_src>
import functools

import jax
import jax.numpy as jnp
from jax import lax
from jax.experimental import pallas as pl
from jax.experimental.pallas import tpu as pltpu
from jax.experimental.pallas import tpu_sc as plsc

NC = 2
NS = 16
NW = NC * NS
LANES = 16


def _make_sc_kernel(B, C, E):
    b_per_w = B // NW
    CB = 128
    n_chunks = b_per_w // CB
    ctx_per_chunk = CB * C
    n_ctx_g = ctx_per_chunk // 128
    ne = E // LANES

    mesh = plsc.VectorSubcoreMesh(core_axis_name="c", subcore_axis_name="s")

    @functools.partial(
        pl.kernel,
        mesh=mesh,
        compiler_params=pltpu.CompilerParams(needs_layout_passes=False,
                                             use_tc_tiling_on_sc=False),
        out_type=jax.ShapeDtypeStruct((B * C,), jnp.float32),
        scratch_types=[
            pltpu.VMEM((b_per_w,), jnp.int32),
            pltpu.VMEM((b_per_w * C,), jnp.int32),
            pltpu.VMEM((CB, E), jnp.float32),
            pltpu.VMEM((ctx_per_chunk, E), jnp.float32),
            pltpu.VMEM((ctx_per_chunk, LANES), jnp.float32),
            pltpu.VMEM((b_per_w * C,), jnp.float32),
            pltpu.SemaphoreType.DMA,
        ],
    )
    def sc_kernel(tgt_hbm, ctx_hbm, tab_hbm, out_hbm,
                  tgt_idx_v, ctx_idx_v, tgt_rows_v, ctx_rows_v, buf_v,
                  out_v, sem):
        wid = lax.axis_index("s") * NC + lax.axis_index("c")
        base = wid * b_per_w
        pltpu.sync_copy(tgt_hbm.at[pl.ds(base, b_per_w)], tgt_idx_v)
        pltpu.sync_copy(ctx_hbm.at[pl.ds(base * C, b_per_w * C)], ctx_idx_v)

        lanes = lax.iota(jnp.int32, LANES)
        last = jnp.full((LANES,), LANES - 1, jnp.int32)

        for k in range(n_chunks):
            cps = [pltpu.async_copy(
                tab_hbm.at[tgt_idx_v.at[pl.ds(k * CB, CB)]], tgt_rows_v, sem)]
            for g in range(n_ctx_g):
                cps.append(pltpu.async_copy(
                    tab_hbm.at[ctx_idx_v.at[pl.ds(k * ctx_per_chunk + g * 128,
                                                  128)]],
                    ctx_rows_v.at[pl.ds(g * 128, 128)], sem))
            for cp in cps:
                cp.wait()

            def body(i, carry):
                t = [tgt_rows_v[i, pl.ds(e * LANES, LANES)] for e in range(ne)]
                r = i * C
                for c in range(C):
                    p = t[0] * ctx_rows_v[r + c, pl.ds(0, LANES)]
                    for e in range(1, ne):
                        p = p + t[e] * ctx_rows_v[r + c,
                                                  pl.ds(e * LANES, LANES)]
                    buf_v[r + c, pl.ds(0, LANES)] = plsc.cumsum(p)
                return carry

            lax.fori_loop(0, CB, body, 0)

            def collect(t, carry, k=k):
                rows = t * LANES + lanes
                sums = plsc.load_gather(buf_v, [rows, last])
                out_v[pl.ds(k * ctx_per_chunk + t * LANES, LANES)] = sums
                return carry

            lax.fori_loop(0, ctx_per_chunk // LANES, collect, 0)

        pltpu.sync_copy(out_v, out_hbm.at[pl.ds(base * C, b_per_w * C)])

    return sc_kernel


def kernel(target, context, target_table, context_table):
    B, C = context.shape
    V, E = target_table.shape
    tab = jnp.concatenate([target_table, context_table], axis=0)
    sc = _make_sc_kernel(B, C, E)
    return sc(target, context.reshape(-1) + V, tab).reshape(B, C)

# --- scband reference (transcript-rebuilt; emitter-appended) ---
"""Pipeline reference for scband-word2-vec-7662221656444 (READ-ONLY COPY).

The authoritative reference and input builder live on the scoring server;
editing this copy changes nothing except your own understanding.
"""

import jax, jax.numpy as jnp
import numpy as np

VOCAB = 1000000
EMB = 64
BATCH = 16384
NUM_NS_PLUS_1 = 5

def setup_inputs(seed: int = 0) -> dict:
    key = jax.random.key(seed)
    k1, k2, k3, k4 = jax.random.split(key, 4)
    target = jax.random.randint(k1, (BATCH,), 0, VOCAB, dtype=jnp.int64 if jax.config.jax_enable_x64 else jnp.int32).astype(jnp.int32)
    context = jax.random.randint(k2, (BATCH, NUM_NS_PLUS_1), 0, VOCAB, dtype=jnp.int64 if jax.config.jax_enable_x64 else jnp.int32).astype(jnp.int32)
    # Learned parameters: two embedding tables (Keras Embedding default uniform init)
    target_table = jax.random.uniform(k3, (VOCAB, EMB), minval=-0.05, maxval=0.05, dtype=jnp.float32)
    context_table = jax.random.uniform(k4, (VOCAB, EMB), minval=-0.05, maxval=0.05, dtype=jnp.float32)
    return {"target": target, "context": context, "target_table": target_table, "context_table": context_table}

def reference(target, context, target_table, context_table):
    # word_emb: [B, E] via embedding lookup (gather)
    word_emb = jnp.take(target_table, target, axis=0)
    # context_emb: [B, C, E]
    context_emb = jnp.take(context_table, context, axis=0)
    # dots: [B, C]
    dots = jnp.einsum('be,bce->bc', word_emb, context_emb)
    return dots

if __name__ == "__main__":
    import jax
    _d = setup_inputs()
    print(jax.jit(kernel)(*tuple(_d.values())))

</pallas_src>

<mosaic_0001>
#map = affine_map<(d0, d1) -> (0)>
#map1 = affine_map<(d0, d1) -> (0, 0)>
module attributes {stable_mosaic.version = 14 : i64} {
  func.func @sc_kernel(%arg0: i32, %arg1: i32, %arg2: memref<16384xi32, #tpu.memory_space<hbm>>, %arg3: memref<81920xi32, #tpu.memory_space<hbm>>, %arg4: memref<2000000x64xf32, #tpu.memory_space<hbm>>, %arg5: memref<81920xf32, #tpu.memory_space<hbm>>, %arg6: memref<512xi32, #tpu.memory_space<vmem>>, %arg7: memref<2560xi32, #tpu.memory_space<vmem>>, %arg8: memref<128x64xf32, #tpu.memory_space<vmem>>, %arg9: memref<640x64xf32, #tpu.memory_space<vmem>>, %arg10: memref<640x16xf32, #tpu.memory_space<vmem>>, %arg11: memref<2560xf32, #tpu.memory_space<vmem>>, %arg12: memref<!tpu.dma_semaphore, #tpu.memory_space<semaphore_mem>>) attributes {dimension_semantics = [#tpu.dimension_semantics<core_parallel>, #tpu.dimension_semantics<subcore_parallel>], iteration_bounds = array<i64: 2, 16>, scalar_prefetch = 0 : i64, scratch_operands = 7 : i64, tpu.core_type = #tpu.core_type<sc_vector_subcore>, window_params = [{transform_indices = #map}, {transform_indices = #map}, {transform_indices = #map1}, {transform_indices = #map}]} {
    %mul3A = arith.constant 2 : i32
    %mul3A_0 = arith.muli %arg1, %mul3A : i32
    %add3A = arith.addi %mul3A_0, %arg0 : i32
    %mul3A_1 = arith.constant 512 : i32
    %mul3A_2 = arith.muli %add3A, %mul3A_1 : i32
    "tpu.region"() ({
      %run_scoped3A = tpu.sem_alloc : memref<!tpu.dma_semaphore, #tpu.memory_space<semaphore_mem>>
      %dma_start3A_413 = tpu.memref_slice %arg2[%mul3A_2] : memref<16384xi32, #tpu.memory_space<hbm>> -> memref<512xi32, #tpu.memory_space<hbm>>
      %dma_start3A_414 = tpu.memref_slice %arg2[%mul3A_2] : memref<16384xi32, #tpu.memory_space<hbm>> -> memref<512xi32, #tpu.memory_space<hbm>>
      tpu.enqueue_dma source(%dma_start3A_414 : memref<512xi32, #tpu.memory_space<hbm>>) target(%arg6 : memref<512xi32, #tpu.memory_space<vmem>>) target_semaphore(%run_scoped3A : memref<!tpu.dma_semaphore, #tpu.memory_space<semaphore_mem>>)
      %dma_wait3A_415 = tpu.memref_slice %arg2[%mul3A_2] : memref<16384xi32, #tpu.memory_space<hbm>> -> memref<512xi32, #tpu.memory_space<hbm>>
      %dma_wait3A_416 = tpu.memref_slice %arg2[%mul3A_2] : memref<16384xi32, #tpu.memory_space<hbm>> -> memref<512xi32, #tpu.memory_space<hbm>>
      tpu.wait_dma2 semaphore(%run_scoped3A : memref<!tpu.dma_semaphore, #tpu.memory_space<semaphore_mem>>) src(%dma_wait3A_416 : memref<512xi32, #tpu.memory_space<hbm>>) dst(%arg6 : memref<512xi32, #tpu.memory_space<vmem>>)
      tpu.yield
    }) : () -> ()
    %mul3A_3 = arith.constant 5 : i32
    %mul3A_4 = arith.muli %mul3A_2, %mul3A_3 : i32
    "tpu.region"() ({
      %run_scoped3A = tpu.sem_alloc : memref<!tpu.dma_semaphore, #tpu.memory_space<semaphore_mem>>
      %dma_start3A_413 = tpu.memref_slice %arg3[%mul3A_4] : memref<81920xi32, #tpu.memory_space<hbm>> -> memref<2560xi32, #tpu.memory_space<hbm>>
      %dma_start3A_414 = tpu.memref_slice %arg3[%mul3A_4] : memref<81920xi32, #tpu.memory_space<hbm>> -> memref<2560xi32, #tpu.memory_space<hbm>>
      tpu.enqueue_dma source(%dma_start3A_414 : memref<2560xi32, #tpu.memory_space<hbm>>) target(%arg7 : memref<2560xi32, #tpu.memory_space<vmem>>) target_semaphore(%run_scoped3A : memref<!tpu.dma_semaphore, #tpu.memory_space<semaphore_mem>>)
      %dma_wait3A_415 = tpu.memref_slice %arg3[%mul3A_4] : memref<81920xi32, #tpu.memory_space<hbm>> -> memref<2560xi32, #tpu.memory_space<hbm>>
      %dma_wait3A_416 = tpu.memref_slice %arg3[%mul3A_4] : memref<81920xi32, #tpu.memory_space<hbm>> -> memref<2560xi32, #tpu.memory_space<hbm>>
      tpu.wait_dma2 semaphore(%run_scoped3A : memref<!tpu.dma_semaphore, #tpu.memory_space<semaphore_mem>>) src(%dma_wait3A_416 : memref<2560xi32, #tpu.memory_space<hbm>>) dst(%arg7 : memref<2560xi32, #tpu.memory_space<vmem>>)
      tpu.yield
    }) : () -> ()
    %iota3A = tpu.iota {dimensions = array<i32: 0>} : vector<16xi32>
    %broadcast_in_dim3A = arith.constant 15 : i32
    %broadcast_in_dim3A_5 = vector.broadcast %broadcast_in_dim3A : i32 to vector<16xi32>
    %dma_start3A = arith.constant 0 : i32
    %dma_start3A_6 = tpu.memref_slice %arg6[%dma_start3A] : memref<512xi32, #tpu.memory_space<vmem>> -> memref<128xi32, #tpu.memory_space<vmem>>
    %dma_start3A_7 = arith.constant 0 : i32
    %dma_start3A_8 = arith.constant 0 : i32
    %dma_start3A_9 = tpu.memref_slice %arg4[%dma_start3A_7, %dma_start3A_8] : memref<2000000x64xf32, #tpu.memory_space<hbm>> -> memref<2000000x64xf32, #tpu.memory_space<hbm>>
    tpu.enqueue_indirect_dma source(%dma_start3A_9 : memref<2000000x64xf32, #tpu.memory_space<hbm>>) target(%arg8 : memref<128x64xf32, #tpu.memory_space<vmem>>) offsets(%dma_start3A_6 : memref<128xi32, #tpu.memory_space<vmem>>) semaphore(%arg12 : memref<!tpu.dma_semaphore, #tpu.memory_space<semaphore_mem>>)
    %dma_start3A_10 = arith.constant 0 : i32
    %dma_start3A_11 = arith.constant 0 : i32
    %dma_start3A_12 = tpu.memref_slice %arg9[%dma_start3A_10, %dma_start3A_11] : memref<640x64xf32, #tpu.memory_space<vmem>> -> memref<128x64xf32, #tpu.memory_space<vmem>>
    %dma_start3A_13 = arith.constant 0 : i32
    %dma_start3A_14 = tpu.memref_slice %arg7[%dma_start3A_13] : memref<2560xi32, #tpu.memory_space<vmem>> -> memref<128xi32, #tpu.memory_space<vmem>>
    %dma_start3A_15 = arith.constant 0 : i32
    %dma_start3A_16 = arith.constant 0 : i32
    %dma_start3A_17 = tpu.memref_slice %arg4[%dma_start3A_15, %dma_start3A_16] : memref<2000000x64xf32, #tpu.memory_space<hbm>> -> memref<2000000x64xf32, #tpu.memory_space<hbm>>
    tpu.enqueue_indirect_dma source(%dma_start3A_17 : memref<2000000x64xf32, #tpu.memory_space<hbm>>) target(%dma_start3A_12 : memref<128x64xf32, #tpu.memory_space<vmem>>) offsets(%dma_start3A_14 : memref<128xi32, #tpu.memory_space<vmem>>) semaphore(%arg12 : memref<!tpu.dma_semaphore, #tpu.memory_space<semaphore_mem>>)
    %dma_start3A_18 = arith.constant 128 : i32
    %dma_start3A_19 = arith.constant 0 : i32
    %dma_start3A_20 = tpu.memref_slice %arg9[%dma_start3A_18, %dma_start3A_19] : memref<640x64xf32, #tpu.memory_space<vmem>> -> memref<128x64xf32, #tpu.memory_space<vmem>>
    %dma_start3A_21 = arith.constant 128 : i32
    %dma_start3A_22 = tpu.memref_slice %arg7[%dma_start3A_21] : memref<2560xi32, #tpu.memory_space<vmem>> -> memref<128xi32, #tpu.memory_space<vmem>>
    %dma_start3A_23 = arith.constant 0 : i32
    %dma_start3A_24 = arith.constant 0 : i32
    %dma_start3A_25 = tpu.memref_slice %arg4[%dma_start3A_23, %dma_start3A_24] : memref<2000000x64xf32, #tpu.memory_space<hbm>> -> memref<2000000x64xf32, #tpu.memory_space<hbm>>
    tpu.enqueue_indirect_dma source(%dma_start3A_25 : memref<2000000x64xf32, #tpu.memory_space<hbm>>) target(%dma_start3A_20 : memref<128x64xf32, #tpu.memory_space<vmem>>) offsets(%dma_start3A_22 : memref<128xi32, #tpu.memory_space<vmem>>) semaphore(%arg12 : memref<!tpu.dma_semaphore, #tpu.memory_space<semaphore_mem>>)
    %dma_start3A_26 = arith.constant 256 : i32
    %dma_start3A_27 = arith.constant 0 : i32
    %dma_start3A_28 = tpu.memref_slice %arg9[%dma_start3A_26, %dma_start3A_27] : memref<640x64xf32, #tpu.memory_space<vmem>> -> memref<128x64xf32, #tpu.memory_space<vmem>>
    %dma_start3A_29 = arith.constant 256 : i32
    %dma_start3A_30 = tpu.memref_slice %arg7[%dma_start3A_29] : memref<2560xi32, #tpu.memory_space<vmem>> -> memref<128xi32, #tpu.memory_space<vmem>>
    %dma_start3A_31 = arith.constant 0 : i32
    %dma_start3A_32 = arith.constant 0 : i32
    %dma_start3A_33 = tpu.memref_slice %arg4[%dma_start3A_31, %dma_start3A_32] : memref<2000000x64xf32, #tpu.memory_space<hbm>> -> memref<2000000x64xf32, #tpu.memory_space<hbm>>
    tpu.enqueue_indirect_dma source(%dma_start3A_33 : memref<2000000x64xf32, #tpu.memory_space<hbm>>) target(%dma_start3A_28 : memref<128x64xf32, #tpu.memory_space<vmem>>) offsets(%dma_start3A_30 : memref<128xi32, #tpu.memory_space<vmem>>) semaphore(%arg12 : memref<!tpu.dma_semaphore, #tpu.memory_space<semaphore_mem>>)
    %dma_start3A_34 = arith.constant 384 : i32
    %dma_start3A_35 = arith.constant 0 : i32
    %dma_start3A_36 = tpu.memref_slice %arg9[%dma_start3A_34, %dma_start3A_35] : memref<640x64xf32, #tpu.memory_space<vmem>> -> memref<128x64xf32, #tpu.memory_space<vmem>>
    %dma_start3A_37 = arith.constant 384 : i32
    %dma_start3A_38 = tpu.memref_slice %arg7[%dma_start3A_37] : memref<2560xi32, #tpu.memory_space<vmem>> -> memref<128xi32, #tpu.memory_space<vmem>>
    %dma_start3A_39 = arith.constant 0 : i32
    %dma_start3A_40 = arith.constant 0 : i32
    %dma_start3A_41 = tpu.memref_slice %arg4[%dma_start3A_39, %dma_start3A_40] : memref<2000000x64xf32, #tpu.memory_space<hbm>> -> memref<2000000x64xf32, #tpu.memory_space<hbm>>
    tpu.enqueue_indirect_dma source(%dma_start3A_41 : memref<2000000x64xf32, #tpu.memory_space<hbm>>) target(%dma_start3A_36 : memref<128x64xf32, #tpu.memory_space<vmem>>) offsets(%dma_start3A_38 : memref<128xi32, #tpu.memory_space<vmem>>) semaphore(%arg12 : memref<!tpu.dma_semaphore, #tpu.memory_space<semaphore_mem>>)
    %dma_start3A_42 = arith.constant 512 : i32
    %dma_start3A_43 = arith.constant 0 : i32
    %dma_start3A_44 = tpu.memref_slice %arg9[%dma_start3A_42, %dma_start3A_43] : memref<640x64xf32, #tpu.memory_space<vmem>> -> memref<128x64xf32, #tpu.memory_space<vmem>>
    %dma_start3A_45 = arith.constant 512 : i32
    %dma_start3A_46 = tpu.memref_slice %arg7[%dma_start3A_45] : memref<2560xi32, #tpu.memory_space<vmem>> -> memref<128xi32, #tpu.memory_space<vmem>>
    %dma_start3A_47 = arith.constant 0 : i32
    %dma_start3A_48 = arith.constant 0 : i32
    %dma_start3A_49 = tpu.memref_slice %arg4[%dma_start3A_47, %dma_start3A_48] : memref<2000000x64xf32, #tpu.memory_space<hbm>> -> memref<2000000x64xf32, #tpu.memory_space<hbm>>
    tpu.enqueue_indirect_dma source(%dma_start3A_49 : memref<2000000x64xf32, #tpu.memory_space<hbm>>) target(%dma_start3A_44 : memref<128x64xf32, #tpu.memory_space<vmem>>) offsets(%dma_start3A_46 : memref<128xi32, #tpu.memory_space<vmem>>) semaphore(%arg12 : memref<!tpu.dma_semaphore, #tpu.memory_space<semaphore_mem>>)
    %dma_wait3A = arith.constant 0 : i32
    %dma_wait3A_50 = tpu.memref_slice %arg6[%dma_wait3A] : memref<512xi32, #tpu.memory_space<vmem>> -> memref<128xi32, #tpu.memory_space<vmem>>
    %dma_wait3A_51 = arith.constant 0 : i32
    %dma_wait3A_52 = arith.constant 0 : i32
    %dma_wait3A_53 = tpu.memref_slice %arg4[%dma_wait3A_51, %dma_wait3A_52] : memref<2000000x64xf32, #tpu.memory_space<hbm>> -> memref<2000000x64xf32, #tpu.memory_space<hbm>>
    tpu.wait_indirect_dma semaphore(%arg12 : memref<!tpu.dma_semaphore, #tpu.memory_space<semaphore_mem>>) src(%dma_wait3A_53 : memref<2000000x64xf32, #tpu.memory_space<hbm>>) dst(%arg8 : memref<128x64xf32, #tpu.memory_space<vmem>>)
    %dma_wait3A_54 = arith.constant 0 : i32
    %dma_wait3A_55 = arith.constant 0 : i32
    %dma_wait3A_56 = tpu.memref_slice %arg9[%dma_wait3A_54, %dma_wait3A_55] : memref<640x64xf32, #tpu.memory_space<vmem>> -> memref<128x64xf32, #tpu.memory_space<vmem>>
    %dma_wait3A_57 = arith.constant 0 : i32
    %dma_wait3A_58 = tpu.memref_slice %arg7[%dma_wait3A_57] : memref<2560xi32, #tpu.memory_space<vmem>> -> memref<128xi32, #tpu.memory_space<vmem>>
    %dma_wait3A_59 = arith.constant 0 : i32
    %dma_wait3A_60 = arith.constant 0 : i32
    %dma_wait3A_61 = tpu.memref_slice %arg4[%dma_wait3A_59, %dma_wait3A_60] : memref<2000000x64xf32, #tpu.memory_space<hbm>> -> memref<2000000x64xf32, #tpu.memory_space<hbm>>
    tpu.wait_indirect_dma semaphore(%arg12 : memref<!tpu.dma_semaphore, #tpu.memory_space<semaphore_mem>>) src(%dma_wait3A_61 : memref<2000000x64xf32, #tpu.memory_space<hbm>>) dst(%dma_wait3A_56 : memref<128x64xf32, #tpu.memory_space<vmem>>)
    %dma_wait3A_62 = arith.constant 128 : i32
    %dma_wait3A_63 = arith.constant 0 : i32
    %dma_wait3A_64 = tpu.memref_slice %arg9[%dma_wait3A_62, %dma_wait3A_63] : memref<640x64xf32, #tpu.memory_space<vmem>> -> memref<128x64xf32, #tpu.memory_space<vmem>>
    %dma_wait3A_65 = arith.constant 128 : i32
    %dma_wait3A_66 = tpu.memref_slice %arg7[%dma_wait3A_65] : memref<2560xi32, #tpu.memory_space<vmem>> -> memref<128xi32, #tpu.memory_space<vmem>>
    %dma_wait3A_67 = arith.constant 0 : i32
    %dma_wait3A_68 = arith.constant 0 : i32
    %dma_wait3A_69 = tpu.memref_slice %arg4[%dma_wait3A_67, %dma_wait3A_68] : memref<2000000x64xf32, #tpu.memory_space<hbm>> -> memref<2000000x64xf32, #tpu.memory_space<hbm>>
    tpu.wait_indirect_dma semaphore(%arg12 : memref<!tpu.dma_semaphore, #tpu.memory_space<semaphore_mem>>) src(%dma_wait3A_69 : memref<2000000x64xf32, #tpu.memory_space<hbm>>) dst(%dma_wait3A_64 : memref<128x64xf32, #tpu.memory_space<vmem>>)
    %dma_wait3A_70 = arith.constant 256 : i32
    %dma_wait3A_71 = arith.constant 0 : i32
    %dma_wait3A_72 = tpu.memref_slice %arg9[%dma_wait3A_70, %dma_wait3A_71] : memref<640x64xf32, #tpu.memory_space<vmem>> -> memref<128x64xf32, #tpu.memory_space<vmem>>
    %dma_wait3A_73 = arith.constant 256 : i32
    %dma_wait3A_74 = tpu.memref_slice %arg7[%dma_wait3A_73] : memref<2560xi32, #tpu.memory_space<vmem>> -> memref<128xi32, #tpu.memory_space<vmem>>
    %dma_wait3A_75 = arith.constant 0 : i32
    %dma_wait3A_76 = arith.constant 0 : i32
    %dma_wait3A_77 = tpu.memref_slice %arg4[%dma_wait3A_75, %dma_wait3A_76] : memref<2000000x64xf32, #tpu.memory_space<hbm>> -> memref<2000000x64xf32, #tpu.memory_space<hbm>>
    tpu.wait_indirect_dma semaphore(%arg12 : memref<!tpu.dma_semaphore, #tpu.memory_space<semaphore_mem>>) src(%dma_wait3A_77 : memref<2000000x64xf32, #tpu.memory_space<hbm>>) dst(%dma_wait3A_72 : memref<128x64xf32, #tpu.memory_space<vmem>>)
    %dma_wait3A_78 = arith.constant 384 : i32
    %dma_wait3A_79 = arith.constant 0 : i32
    %dma_wait3A_80 = tpu.memref_slice %arg9[%dma_wait3A_78, %dma_wait3A_79] : memref<640x64xf32, #tpu.memory_space<vmem>> -> memref<128x64xf32, #tpu.memory_space<vmem>>
    %dma_wait3A_81 = arith.constant 384 : i32
    %dma_wait3A_82 = tpu.memref_slice %arg7[%dma_wait3A_81] : memref<2560xi32, #tpu.memory_space<vmem>> -> memref<128xi32, #tpu.memory_space<vmem>>
    %dma_wait3A_83 = arith.constant 0 : i32
    %dma_wait3A_84 = arith.constant 0 : i32
    %dma_wait3A_85 = tpu.memref_slice %arg4[%dma_wait3A_83, %dma_wait3A_84] : memref<2000000x64xf32, #tpu.memory_space<hbm>> -> memref<2000000x64xf32, #tpu.memory_space<hbm>>
    tpu.wait_indirect_dma semaphore(%arg12 : memref<!tpu.dma_semaphore, #tpu.memory_space<semaphore_mem>>) src(%dma_wait3A_85 : memref<2000000x64xf32, #tpu.memory_space<hbm>>) dst(%dma_wait3A_80 : memref<128x64xf32, #tpu.memory_space<vmem>>)
    %dma_wait3A_86 = arith.constant 512 : i32
    %dma_wait3A_87 = arith.constant 0 : i32
    %dma_wait3A_88 = tpu.memref_slice %arg9[%dma_wait3A_86, %dma_wait3A_87] : memref<640x64xf32, #tpu.memory_space<vmem>> -> memref<128x64xf32, #tpu.memory_space<vmem>>
    %dma_wait3A_89 = arith.constant 512 : i32
    %dma_wait3A_90 = tpu.memref_slice %arg7[%dma_wait3A_89] : memref<2560xi32, #tpu.memory_space<vmem>> -> memref<128xi32, #tpu.memory_space<vmem>>
    %dma_wait3A_91 = arith.constant 0 : i32
    %dma_wait3A_92 = arith.constant 0 : i32
    %dma_wait3A_93 = tpu.memref_slice %arg4[%dma_wait3A_91, %dma_wait3A_92] : memref<2000000x64xf32, #tpu.memory_space<hbm>> -> memref<2000000x64xf32, #tpu.memory_space<hbm>>
    tpu.wait_indirect_dma semaphore(%arg12 : memref<!tpu.dma_semaphore, #tpu.memory_space<semaphore_mem>>) src(%dma_wait3A_93 : memref<2000000x64xf32, #tpu.memory_space<hbm>>) dst(%dma_wait3A_88 : memref<128x64xf32, #tpu.memory_space<vmem>>)
    %scan3A = arith.constant 0 : i32
    %scan3A_94 = arith.constant 0 : i32
    %scan3A_95 = arith.constant 128 : i32
    %scan3A_96 = arith.addi %scan3A_94, %scan3A_95 : i32
    %scan3A_97 = arith.constant 1 : i32
    scf.for %scan3A_413 = %scan3A_94 to %scan3A_96 step %scan3A_97  : i32 {
      %get3A = arith.index_cast %scan3A_413 : i32 to index
      %get3A_414 = arith.constant 0 : index
      %get3A_415 = tpu.vector_load %arg8[%get3A, %get3A_414] {strides = array<i32>} : memref<128x64xf32, #tpu.memory_space<vmem>>, vector<16xf32>,
      %get3A_416 = arith.index_cast %scan3A_413 : i32 to index
      %get3A_417 = arith.constant 16 : index
      %get3A_418 = tpu.vector_load %arg8[%get3A_416, %get3A_417] {strides = array<i32>} : memref<128x64xf32, #tpu.memory_space<vmem>>, vector<16xf32>,
      %get3A_419 = arith.index_cast %scan3A_413 : i32 to index
      %get3A_420 = arith.constant 32 : index
      %get3A_421 = tpu.vector_load %arg8[%get3A_419, %get3A_420] {strides = array<i32>} : memref<128x64xf32, #tpu.memory_space<vmem>>, vector<16xf32>,
      %get3A_422 = arith.index_cast %scan3A_413 : i32 to index
      %get3A_423 = arith.constant 48 : index
      %get3A_424 = tpu.vector_load %arg8[%get3A_422, %get3A_423] {strides = array<i32>} : memref<128x64xf32, #tpu.memory_space<vmem>>, vector<16xf32>,
      %mul3A_425 = arith.constant 5 : i32
      %mul3A_426 = arith.muli %scan3A_413, %mul3A_425 : i32
      %add3A_427 = arith.constant 0 : i32
      %add3A_428 = arith.addi %mul3A_426, %add3A_427 : i32
      %get3A_429 = arith.index_cast %add3A_428 : i32 to index
      %get3A_430 = arith.constant 0 : index
      %get3A_431 = tpu.vector_load %arg9[%get3A_429, %get3A_430] {strides = array<i32>} : memref<640x64xf32, #tpu.memory_space<vmem>>, vector<16xf32>,
      %mul3A_432 = arith.mulf %get3A_415, %get3A_431 : vector<16xf32>
      %add3A_433 = arith.constant 0 : i32
      %add3A_434 = arith.addi %mul3A_426, %add3A_433 : i32
      %get3A_435 = arith.index_cast %add3A_434 : i32 to index
      %get3A_436 = arith.constant 16 : index
      %get3A_437 = tpu.vector_load %arg9[%get3A_435, %get3A_436] {strides = array<i32>} : memref<640x64xf32, #tpu.memory_space<vmem>>, vector<16xf32>,
      %mul3A_438 = arith.mulf %get3A_418, %get3A_437 : vector<16xf32>
      %add3A_439 = arith.addf %mul3A_432, %mul3A_438 : vector<16xf32>
      %add3A_440 = arith.constant 0 : i32
      %add3A_441 = arith.addi %mul3A_426, %add3A_440 : i32
      %get3A_442 = arith.index_cast %add3A_441 : i32 to index
      %get3A_443 = arith.constant 32 : index
      %get3A_444 = tpu.vector_load %arg9[%get3A_442, %get3A_443] {strides = array<i32>} : memref<640x64xf32, #tpu.memory_space<vmem>>, vector<16xf32>,
      %mul3A_445 = arith.mulf %get3A_421, %get3A_444 : vector<16xf32>
      %add3A_446 = arith.addf %add3A_439, %mul3A_445 : vector<16xf32>
      %add3A_447 = arith.constant 0 : i32
      %add3A_448 = arith.addi %mul3A_426, %add3A_447 : i32
      %get3A_449 = arith.index_cast %add3A_448 : i32 to index
      %get3A_450 = arith.constant 48 : index
      %get3A_451 = tpu.vector_load %arg9[%get3A_449, %get3A_450] {strides = array<i32>} : memref<640x64xf32, #tpu.memory_space<vmem>>, vector<16xf32>,
      %mul3A_452 = arith.mulf %get3A_424, %get3A_451 : vector<16xf32>
      %add3A_453 = arith.addf %add3A_446, %mul3A_452 : vector<16xf32>
      %broadcast_in_dim3A_454 = arith.constant true
      %broadcast_in_dim3A_455 = vector.broadcast %broadcast_in_dim3A_454 : i1 to vector<16xi1>
      %masked_cumsum3A = tpu.scan <sum>, %add3A_453 masked %broadcast_in_dim3A_455 : vector<16xf32>, vector<16xi1> -> vector<16xf32>
      %add3A_456 = arith.constant 0 : i32
      %add3A_457 = arith.addi %mul3A_426, %add3A_456 : i32
      %swap3A = arith.index_cast %add3A_457 : i32 to index
      %swap3A_458 = arith.constant 0 : index
      %swap3A_459 = tpu.vector_load %arg10[%swap3A, %swap3A_458] {strides = array<i32>} : memref<640x16xf32, #tpu.memory_space<vmem>>, vector<16xf32>,
      tpu.vector_store %arg10[%swap3A, %swap3A_458], %masked_cumsum3A {strides = array<i32>} : memref<640x16xf32, #tpu.memory_space<vmem>>, vector<16xf32>,
      %add3A_460 = arith.constant 1 : i32
      %add3A_461 = arith.addi %mul3A_426, %add3A_460 : i32
      %get3A_462 = arith.index_cast %add3A_461 : i32 to index
      %get3A_463 = arith.constant 0 : index
      %get3A_464 = tpu.vector_load %arg9[%get3A_462, %get3A_463] {strides = array<i32>} : memref<640x64xf32, #tpu.memory_space<vmem>>, vector<16xf32>,
      %mul3A_465 = arith.mulf %get3A_415, %get3A_464 : vector<16xf32>
      %add3A_466 = arith.constant 1 : i32
      %add3A_467 = arith.addi %mul3A_426, %add3A_466 : i32
      %get3A_468 = arith.index_cast %add3A_467 : i32 to index
      %get3A_469 = arith.constant 16 : index
      %get3A_470 = tpu.vector_load %arg9[%get3A_468, %get3A_469] {strides = array<i32>} : memref<640x64xf32, #tpu.memory_space<vmem>>, vector<16xf32>,
      %mul3A_471 = arith.mulf %get3A_418, %get3A_470 : vector<16xf32>
      %add3A_472 = arith.addf %mul3A_465, %mul3A_471 : vector<16xf32>
      %add3A_473 = arith.constant 1 : i32
      %add3A_474 = arith.addi %mul3A_426, %add3A_473 : i32
      %get3A_475 = arith.index_cast %add3A_474 : i32 to index
      %get3A_476 = arith.constant 32 : index
      %get3A_477 = tpu.vector_load %arg9[%get3A_475, %get3A_476] {strides = array<i32>} : memref<640x64xf32, #tpu.memory_space<vmem>>, vector<16xf32>,
      %mul3A_478 = arith.mulf %get3A_421, %get3A_477 : vector<16xf32>
      %add3A_479 = arith.addf %add3A_472, %mul3A_478 : vector<16xf32>
      %add3A_480 = arith.constant 1 : i32
      %add3A_481 = arith.addi %mul3A_426, %add3A_480 : i32
      %get3A_482 = arith.index_cast %add3A_481 : i32 to index
      %get3A_483 = arith.constant 48 : index
      %get3A_484 = tpu.vector_load %arg9[%get3A_482, %get3A_483] {strides = array<i32>} : memref<640x64xf32, #tpu.memory_space<vmem>>, vector<16xf32>,
      %mul3A_485 = arith.mulf %get3A_424, %get3A_484 : vector<16xf32>
      %add3A_486 = arith.addf %add3A_479, %mul3A_485 : vector<16xf32>
      %broadcast_in_dim3A_487 = arith.constant true
      %broadcast_in_dim3A_488 = vector.broadcast %broadcast_in_dim3A_487 : i1 to vector<16xi1>
      %masked_cumsum3A_489 = tpu.scan <sum>, %add3A_486 masked %broadcast_in_dim3A_488 : vector<16xf32>, vector<16xi1> -> vector<16xf32>
      %add3A_490 = arith.constant 1 : i32
      %add3A_491 = arith.addi %mul3A_426, %add3A_490 : i32
      %swap3A_492 = arith.index_cast %add3A_491 : i32 to index
      %swap3A_493 = arith.constant 0 : index
      %swap3A_494 = tpu.vector_load %arg10[%swap3A_492, %swap3A_493] {strides = array<i32>} : memref<640x16xf32, #tpu.memory_space<vmem>>, vector<16xf32>,
      tpu.vector_store %arg10[%swap3A_492, %swap3A_493], %masked_cumsum3A_489 {strides = array<i32>} : memref<640x16xf32, #tpu.memory_space<vmem>>, vector<16xf32>,
      %add3A_495 = arith.constant 2 : i32
      %add3A_496 = arith.addi %mul3A_426, %add3A_495 : i32
      %get3A_497 = arith.index_cast %add3A_496 : i32 to index
      %get3A_498 = arith.constant 0 : index
      %get3A_499 = tpu.vector_load %arg9[%get3A_497, %get3A_498] {strides = array<i32>} : memref<640x64xf32, #tpu.memory_space<vmem>>, vector<16xf32>,
      %mul3A_500 = arith.mulf %get3A_415, %get3A_499 : vector<16xf32>
      %add3A_501 = arith.constant 2 : i32
      %add3A_502 = arith.addi %mul3A_426, %add3A_501 : i32
      %get3A_503 = arith.index_cast %add3A_502 : i32 to index
      %get3A_504 = arith.constant 16 : index
      %get3A_505 = tpu.vector_load %arg9[%get3A_503, %get3A_504] {strides = array<i32>} : memref<640x64xf32, #tpu.memory_space<vmem>>, vector<16xf32>,
      %mul3A_506 = arith.mulf %get3A_418, %get3A_505 : vector<16xf32>
      %add3A_507 = arith.addf %mul3A_500, %mul3A_506 : vector<16xf32>
      %add3A_508 = arith.constant 2 : i32
      %add3A_509 = arith.addi %mul3A_426, %add3A_508 : i32
      %get3A_510 = arith.index_cast %add3A_509 : i32 to index
      %get3A_511 = arith.constant 32 : index
      %get3A_512 = tpu.vector_load %arg9[%get3A_510, %get3A_511] {strides = array<i32>} : memref<640x64xf32, #tpu.memory_space<vmem>>, vector<16xf32>,
      %mul3A_513 = arith.mulf %get3A_421, %get3A_512 : vector<16xf32>
      %add3A_514 = arith.addf %add3A_507, %mul3A_513 : vector<16xf32>
      %add3A_515 = arith.constant 2 : i32
      %add3A_516 = arith.addi %mul3A_426, %add3A_515 : i32
      %get3A_517 = arith.index_cast %add3A_516 : i32 to index
      %get3A_518 = arith.constant 48 : index
      %get3A_519 = tpu.vector_load %arg9[%get3A_517, %get3A_518] {strides = array<i32>} : memref<640x64xf32, #tpu.memory_space<vmem>>, vector<16xf32>,
      %mul3A_520 = arith.mulf %get3A_424, %get3A_519 : vector<16xf32>
      %add3A_521 = arith.addf %add3A_514, %mul3A_520 : vector<16xf32>
      %broadcast_in_dim3A_522 = arith.constant true
      %broadcast_in_dim3A_523 = vector.broadcast %broadcast_in_dim3A_522 : i1 to vector<16xi1>
      %masked_cumsum3A_524 = tpu.scan <sum>, %add3A_521 masked %broadcast_in_dim3A_523 : vector<16xf32>, vector<16xi1> -> vector<16xf32>
      %add3A_525 = arith.constant 2 : i32
      %add3A_526 = arith.addi %mul3A_426, %add3A_525 : i32
      %swap3A_527 = arith.index_cast %add3A_526 : i32 to index
      %swap3A_528 = arith.constant 0 : index
      %swap3A_529 = tpu.vector_load %arg10[%swap3A_527, %swap3A_528] {strides = array<i32>} : memref<640x16xf32, #tpu.memory_space<vmem>>, vector<16xf32>,
      tpu.vector_store %arg10[%swap3A_527, %swap3A_528], %masked_cumsum3A_524 {strides = array<i32>} : memref<640x16xf32, #tpu.memory_space<vmem>>, vector<16xf32>,
      %add3A_530 = arith.constant 3 : i32
      %add3A_531 = arith.addi %mul3A_426, %add3A_530 : i32
      %get3A_532 = arith.index_cast %add3A_531 : i32 to index
      %get3A_533 = arith.constant 0 : index
      %get3A_534 = tpu.vector_load %arg9[%get3A_532, %get3A_533] {strides = array<i32>} : memref<640x64xf32, #tpu.memory_space<vmem>>, vector<16xf32>,
      %mul3A_535 = arith.mulf %get3A_415, %get3A_534 : vector<16xf32>
      %add3A_536 = arith.constant 3 : i32
      %add3A_537 = arith.addi %mul3A_426, %add3A_536 : i32
      %get3A_538 = arith.index_cast %add3A_537 : i32 to index
      %get3A_539 = arith.constant 16 : index
      %get3A_540 = tpu.vector_load %arg9[%get3A_538, %get3A_539] {strides = array<i32>} : memref<640x64xf32, #tpu.memory_space<vmem>>, vector<16xf32>,
      %mul3A_541 = arith.mulf %get3A_418, %get3A_540 : vector<16xf32>
      %add3A_542 = arith.addf %mul3A_535, %mul3A_541 : vector<16xf32>
      %add3A_543 = arith.constant 3 : i32
      %add3A_544 = arith.addi %mul3A_426, %add3A_543 : i32
      %get3A_545 = arith.index_cast %add3A_544 : i32 to index
      %get3A_546 = arith.constant 32 : index
      %get3A_547 = tpu.vector_load %arg9[%get3A_545, %get3A_546] {strides = array<i32>} : memref<640x64xf32, #tpu.memory_space<vmem>>, vector<16xf32>,
      %mul3A_548 = arith.mulf %get3A_421, %get3A_547 : vector<16xf32>
      %add3A_549 = arith.addf %add3A_542, %mul3A_548 : vector<16xf32>
      %add3A_550 = arith.constant 3 : i32
      %add3A_551 = arith.addi %mul3A_426, %add3A_550 : i32
      %get3A_552 = arith.index_cast %add3A_551 : i32 to index
      %get3A_553 = arith.constant 48 : index
      %get3A_554 = tpu.vector_load %arg9[%get3A_552, %get3A_553] {strides = array<i32>} : memref<640x64xf32, #tpu.memory_space<vmem>>, vector<16xf32>,
      %mul3A_555 = arith.mulf %get3A_424, %get3A_554 : vector<16xf32>
      %add3A_556 = arith.addf %add3A_549, %mul3A_555 : vector<16xf32>
      %broadcast_in_dim3A_557 = arith.constant true
      %broadcast_in_dim3A_558 = vector.broadcast %broadcast_in_dim3A_557 : i1 to vector<16xi1>
      %masked_cumsum3A_559 = tpu.scan <sum>, %add3A_556 masked %broadcast_in_dim3A_558 : vector<16xf32>, vector<16xi1> -> vector<16xf32>
      %add3A_560 = arith.constant 3 : i32
      %add3A_561 = arith.addi %mul3A_426, %add3A_560 : i32
      %swap3A_562 = arith.index_cast %add3A_561 : i32 to index
      %swap3A_563 = arith.constant 0 : index
      %swap3A_564 = tpu.vector_load %arg10[%swap3A_562, %swap3A_563] {strides = array<i32>} : memref<640x16xf32, #tpu.memory_space<vmem>>, vector<16xf32>,
      tpu.vector_store %arg10[%swap3A_562, %swap3A_563], %masked_cumsum3A_559 {strides = array<i32>} : memref<640x16xf32, #tpu.memory_space<vmem>>, vector<16xf32>,
      %add3A_565 = arith.constant 4 : i32
      %add3A_566 = arith.addi %mul3A_426, %add3A_565 : i32
      %get3A_567 = arith.index_cast %add3A_566 : i32 to index
      %get3A_568 = arith.constant 0 : index
      %get3A_569 = tpu.vector_load %arg9[%get3A_567, %get3A_568] {strides = array<i32>} : memref<640x64xf32, #tpu.memory_space<vmem>>, vector<16xf32>,
      %mul3A_570 = arith.mulf %get3A_415, %get3A_569 : vector<16xf32>
      %add3A_571 = arith.constant 4 : i32
      %add3A_572 = arith.addi %mul3A_426, %add3A_571 : i32
      %get3A_573 = arith.index_cast %add3A_572 : i32 to index
      %get3A_574 = arith.constant 16 : index
      %get3A_575 = tpu.vector_load %arg9[%get3A_573, %get3A_574] {strides = array<i32>} : memref<640x64xf32, #tpu.memory_space<vmem>>, vector<16xf32>,
      %mul3A_576 = arith.mulf %get3A_418, %get3A_575 : vector<16xf32>
      %add3A_577 = arith.addf %mul3A_570, %mul3A_576 : vector<16xf32>
      %add3A_578 = arith.constant 4 : i32
      %add3A_579 = arith.addi %mul3A_426, %add3A_578 : i32
      %get3A_580 = arith.index_cast %add3A_579 : i32 to index
      %get3A_581 = arith.constant 32 : index
      %get3A_582 = tpu.vector_load %arg9[%get3A_580, %get3A_581] {strides = array<i32>} : memref<640x64xf32, #tpu.memory_space<vmem>>, vector<16xf32>,
      %mul3A_583 = arith.mulf %get3A_421, %get3A_582 : vector<16xf32>
      %add3A_584 = arith.addf %add3A_577, %mul3A_583 : vector<16xf32>
      %add3A_585 = arith.constant 4 : i32
      %add3A_586 = arith.addi %mul3A_426, %add3A_585 : i32
      %get3A_587 = arith.index_cast %add3A_586 : i32 to index
      %get3A_588 = arith.constant 48 : index
      %get3A_589 = tpu.vector_load %arg9[%get3A_587, %get3A_588] {strides = array<i32>} : memref<640x64xf32, #tpu.memory_space<vmem>>, vector<16xf32>,
      %mul3A_590 = arith.mulf %get3A_424, %get3A_589 : vector<16xf32>
      %add3A_591 = arith.addf %add3A_584, %mul3A_590 : vector<16xf32>
      %broadcast_in_dim3A_592 = arith.constant true
      %broadcast_in_dim3A_593 = vector.broadcast %broadcast_in_dim3A_592 : i1 to vector<16xi1>
      %masked_cumsum3A_594 = tpu.scan <sum>, %add3A_591 masked %broadcast_in_dim3A_593 : vector<16xf32>, vector<16xi1> -> vector<16xf32>
      %add3A_595 = arith.constant 4 : i32
      %add3A_596 = arith.addi %mul3A_426, %add3A_595 : i32
      %swap3A_597 = arith.index_cast %add3A_596 : i32 to index
      %swap3A_598 = arith.constant 0 : index
      %swap3A_599 = tpu.vector_load %arg10[%swap3A_597, %swap3A_598] {strides = array<i32>} : memref<640x16xf32, #tpu.memory_space<vmem>>, vector<16xf32>,
      tpu.vector_store %arg10[%swap3A_597, %swap3A_598], %masked_cumsum3A_594 {strides = array<i32>} : memref<640x16xf32, #tpu.memory_space<vmem>>, vector<16xf32>,
    }
    %scan3A_98 = arith.constant 128 : i32
    %scan3A_99 = arith.constant 0 : i32
    %scan3A_100 = arith.constant 0 : i32
    %scan3A_101 = arith.constant 40 : i32
    %scan3A_102 = arith.addi %scan3A_100, %scan3A_101 : i32
    %scan3A_103 = arith.constant 1 : i32
    scf.for %scan3A_413 = %scan3A_100 to %scan3A_102 step %scan3A_103  : i32 {
      %mul3A_414 = arith.constant 16 : i32
      %mul3A_415 = arith.muli %scan3A_413, %mul3A_414 : i32
      %add3A_416 = vector.broadcast %mul3A_415 : i32 to vector<16xi32>
      %add3A_417 = arith.addi %add3A_416, %iota3A : vector<16xi32>
      %gather3A = tpu.vector_load_idx %arg10[%add3A_417, %broadcast_in_dim3A_5] : memref<640x16xf32, #tpu.memory_space<vmem>>[vector<16xi32>, vector<16xi32>], vector<16xf32>,
      %mul3A_418 = arith.constant 16 : i32
      %mul3A_419 = arith.muli %scan3A_413, %mul3A_418 : i32
      %add3A_420 = arith.constant 0 : i32
      %add3A_421 = arith.addi %add3A_420, %mul3A_419 : i32
      %swap3A = arith.index_cast %add3A_421 : i32 to index
      %swap3A_422 = tpu.vector_load %arg11[%swap3A] {strides = array<i32>} : memref<2560xf32, #tpu.memory_space<vmem>>, vector<16xf32>,
      tpu.vector_store %arg11[%swap3A], %gather3A {strides = array<i32>} : memref<2560xf32, #tpu.memory_space<vmem>>, vector<16xf32>,
    }
    %scan3A_104 = arith.constant 40 : i32
    %dma_start3A_105 = arith.constant 128 : i32
    %dma_start3A_106 = tpu.memref_slice %arg6[%dma_start3A_105] : memref<512xi32, #tpu.memory_space<vmem>> -> memref<128xi32, #tpu.memory_space<vmem>>
    %dma_start3A_107 = arith.constant 0 : i32
    %dma_start3A_108 = arith.constant 0 : i32
    %dma_start3A_109 = tpu.memref_slice %arg4[%dma_start3A_107, %dma_start3A_108] : memref<2000000x64xf32, #tpu.memory_space<hbm>> -> memref<2000000x64xf32, #tpu.memory_space<hbm>>
    tpu.enqueue_indirect_dma source(%dma_start3A_109 : memref<2000000x64xf32, #tpu.memory_space<hbm>>) target(%arg8 : memref<128x64xf32, #tpu.memory_space<vmem>>) offsets(%dma_start3A_106 : memref<128xi32, #tpu.memory_space<vmem>>) semaphore(%arg12 : memref<!tpu.dma_semaphore, #tpu.memory_space<semaphore_mem>>)
    %dma_start3A_110 = arith.constant 0 : i32
    %dma_start3A_111 = arith.constant 0 : i32
    %dma_start3A_112 = tpu.memref_slice %arg9[%dma_start3A_110, %dma_start3A_111] : memref<640x64xf32, #tpu.memory_space<vmem>> -> memref<128x64xf32, #tpu.memory_space<vmem>>
    %dma_start3A_113 = arith.constant 640 : i32
    %dma_start3A_114 = tpu.memref_slice %arg7[%dma_start3A_113] : memref<2560xi32, #tpu.memory_space<vmem>> -> memref<128xi32, #tpu.memory_space<vmem>>
    %dma_start3A_115 = arith.constant 0 : i32
    %dma_start3A_116 = arith.constant 0 : i32
    %dma_start3A_117 = tpu.memref_slice %arg4[%dma_start3A_115, %dma_start3A_116] : memref<2000000x64xf32, #tpu.memory_space<hbm>> -> memref<2000000x64xf32, #tpu.memory_space<hbm>>
    tpu.enqueue_indirect_dma source(%dma_start3A_117 : memref<2000000x64xf32, #tpu.memory_space<hbm>>) target(%dma_start3A_112 : memref<128x64xf32, #tpu.memory_space<vmem>>) offsets(%dma_start3A_114 : memref<128xi32, #tpu.memory_space<vmem>>) semaphore(%arg12 : memref<!tpu.dma_semaphore, #tpu.memory_space<semaphore_mem>>)
    %dma_start3A_118 = arith.constant 128 : i32
    %dma_start3A_119 = arith.constant 0 : i32
    %dma_start3A_120 = tpu.memref_slice %arg9[%dma_start3A_118, %dma_start3A_119] : memref<640x64xf32, #tpu.memory_space<vmem>> -> memref<128x64xf32, #tpu.memory_space<vmem>>
    %dma_start3A_121 = arith.constant 768 : i32
    %dma_start3A_122 = tpu.memref_slice %arg7[%dma_start3A_121] : memref<2560xi32, #tpu.memory_space<vmem>> -> memref<128xi32, #tpu.memory_space<vmem>>
    %dma_start3A_123 = arith.constant 0 : i32
    %dma_start3A_124 = arith.constant 0 : i32
    %dma_start3A_125 = tpu.memref_slice %arg4[%dma_start3A_123, %dma_start3A_124] : memref<2000000x64xf32, #tpu.memory_space<hbm>> -> memref<2000000x64xf32, #tpu.memory_space<hbm>>
    tpu.enqueue_indirect_dma source(%dma_start3A_125 : memref<2000000x64xf32, #tpu.memory_space<hbm>>) target(%dma_start3A_120 : memref<128x64xf32, #tpu.memory_space<vmem>>) offsets(%dma_start3A_122 : memref<128xi32, #tpu.memory_space<vmem>>) semaphore(%arg12 : memref<!tpu.dma_semaphore, #tpu.memory_space<semaphore_mem>>)
    %dma_start3A_126 = arith.constant 256 : i32
    %dma_start3A_127 = arith.constant 0 : i32
    %dma_start3A_128 = tpu.memref_slice %arg9[%dma_start3A_126, %dma_start3A_127] : memref<640x64xf32, #tpu.memory_space<vmem>> -> memref<128x64xf32, #tpu.memory_space<vmem>>
    %dma_start3A_129 = arith.constant 896 : i32
    %dma_start3A_130 = tpu.memref_slice %arg7[%dma_start3A_129] : memref<2560xi32, #tpu.memory_space<vmem>> -> memref<128xi32, #tpu.memory_space<vmem>>
    %dma_start3A_131 = arith.constant 0 : i32
    %dma_start3A_132 = arith.constant 0 : i32
    %dma_start3A_133 = tpu.memref_slice %arg4[%dma_start3A_131, %dma_start3A_132] : memref<2000000x64xf32, #tpu.memory_space<hbm>> -> memref<2000000x64xf32, #tpu.memory_space<hbm>>
    tpu.enqueue_indirect_dma source(%dma_start3A_133 : memref<2000000x64xf32, #tpu.memory_space<hbm>>) target(%dma_start3A_128 : memref<128x64xf32, #tpu.memory_space<vmem>>) offsets(%dma_start3A_130 : memref<128xi32, #tpu.memory_space<vmem>>) semaphore(%arg12 : memref<!tpu.dma_semaphore, #tpu.memory_space<semaphore_mem>>)
    %dma_start3A_134 = arith.constant 384 : i32
    %dma_start3A_135 = arith.constant 0 : i32
    %dma_start3A_136 = tpu.memref_slice %arg9[%dma_start3A_134, %dma_start3A_135] : memref<640x64xf32, #tpu.memory_space<vmem>> -> memref<128x64xf32, #tpu.memory_space<vmem>>
    %dma_start3A_137 = arith.constant 1024 : i32
    %dma_start3A_138 = tpu.memref_slice %arg7[%dma_start3A_137] : memref<2560xi32, #tpu.memory_space<vmem>> -> memref<128xi32, #tpu.memory_space<vmem>>
    %dma_start3A_139 = arith.constant 0 : i32
    %dma_start3A_140 = arith.constant 0 : i32
    %dma_start3A_141 = tpu.memref_slice %arg4[%dma_start3A_139, %dma_start3A_140] : memref<2000000x64xf32, #tpu.memory_space<hbm>> -> memref<2000000x64xf32, #tpu.memory_space<hbm>>
    tpu.enqueue_indirect_dma source(%dma_start3A_141 : memref<2000000x64xf32, #tpu.memory_space<hbm>>) target(%dma_start3A_136 : memref<128x64xf32, #tpu.memory_space<vmem>>) offsets(%dma_start3A_138 : memref<128xi32, #tpu.memory_space<vmem>>) semaphore(%arg12 : memref<!tpu.dma_semaphore, #tpu.memory_space<semaphore_mem>>)
    %dma_start3A_142 = arith.constant 512 : i32
    %dma_start3A_143 = arith.constant 0 : i32
    %dma_start3A_144 = tpu.memref_slice %arg9[%dma_start3A_142, %dma_start3A_143] : memref<640x64xf32, #tpu.memory_space<vmem>> -> memref<128x64xf32, #tpu.memory_space<vmem>>
    %dma_start3A_145 = arith.constant 1152 : i32
    %dma_start3A_146 = tpu.memref_slice %arg7[%dma_start3A_145] : memref<2560xi32, #tpu.memory_space<vmem>> -> memref<128xi32, #tpu.memory_space<vmem>>
    %dma_start3A_147 = arith.constant 0 : i32
    %dma_start3A_148 = arith.constant 0 : i32
    %dma_start3A_149 = tpu.memref_slice %arg4[%dma_start3A_147, %dma_start3A_148] : memref<2000000x64xf32, #tpu.memory_space<hbm>> -> memref<2000000x64xf32, #tpu.memory_space<hbm>>
    tpu.enqueue_indirect_dma source(%dma_start3A_149 : memref<2000000x64xf32, #tpu.memory_space<hbm>>) target(%dma_start3A_144 : memref<128x64xf32, #tpu.memory_space<vmem>>) offsets(%dma_start3A_146 : memref<128xi32, #tpu.memory_space<vmem>>) semaphore(%arg12 : memref<!tpu.dma_semaphore, #tpu.memory_space<semaphore_mem>>)
    %dma_wait3A_150 = arith.constant 128 : i32
    %dma_wait3A_151 = tpu.memref_slice %arg6[%dma_wait3A_150] : memref<512xi32, #tpu.memory_space<vmem>> -> memref<128xi32, #tpu.memory_space<vmem>>
    %dma_wait3A_152 = arith.constant 0 : i32
    %dma_wait3A_153 = arith.constant 0 : i32
    %dma_wait3A_154 = tpu.memref_slice %arg4[%dma_wait3A_152, %dma_wait3A_153] : memref<2000000x64xf32, #tpu.memory_space<hbm>> -> memref<2000000x64xf32, #tpu.memory_space<hbm>>
    tpu.wait_indirect_dma semaphore(%arg12 : memref<!tpu.dma_semaphore, #tpu.memory_space<semaphore_mem>>) src(%dma_wait3A_154 : memref<2000000x64xf32, #tpu.memory_space<hbm>>) dst(%arg8 : memref<128x64xf32, #tpu.memory_space<vmem>>)
    %dma_wait3A_155 = arith.constant 0 : i32
    %dma_wait3A_156 = arith.constant 0 : i32
    %dma_wait3A_157 = tpu.memref_slice %arg9[%dma_wait3A_155, %dma_wait3A_156] : memref<640x64xf32, #tpu.memory_space<vmem>> -> memref<128x64xf32, #tpu.memory_space<vmem>>
    %dma_wait3A_158 = arith.constant 640 : i32
    %dma_wait3A_159 = tpu.memref_slice %arg7[%dma_wait3A_158] : memref<2560xi32, #tpu.memory_space<vmem>> -> memref<128xi32, #tpu.memory_space<vmem>>
    %dma_wait3A_160 = arith.constant 0 : i32
    %dma_wait3A_161 = arith.constant 0 : i32
    %dma_wait3A_162 = tpu.memref_slice %arg4[%dma_wait3A_160, %dma_wait3A_161] : memref<2000000x64xf32, #tpu.memory_space<hbm>> -> memref<2000000x64xf32, #tpu.memory_space<hbm>>
    tpu.wait_indirect_dma semaphore(%arg12 : memref<!tpu.dma_semaphore, #tpu.memory_space<semaphore_mem>>) src(%dma_wait3A_162 : memref<2000000x64xf32, #tpu.memory_space<hbm>>) dst(%dma_wait3A_157 : memref<128x64xf32, #tpu.memory_space<vmem>>)
    %dma_wait3A_163 = arith.constant 128 : i32
    %dma_wait3A_164 = arith.constant 0 : i32
    %dma_wait3A_165 = tpu.memref_slice %arg9[%dma_wait3A_163, %dma_wait3A_164] : memref<640x64xf32, #tpu.memory_space<vmem>> -> memref<128x64xf32, #tpu.memory_space<vmem>>
    %dma_wait3A_166 = arith.constant 768 : i32
    %dma_wait3A_167 = tpu.memref_slice %arg7[%dma_wait3A_166] : memref<2560xi32, #tpu.memory_space<vmem>> -> memref<128xi32, #tpu.memory_space<vmem>>
    %dma_wait3A_168 = arith.constant 0 : i32
    %dma_wait3A_169 = arith.constant 0 : i32
    %dma_wait3A_170 = tpu.memref_slice %arg4[%dma_wait3A_168, %dma_wait3A_169] : memref<2000000x64xf32, #tpu.memory_space<hbm>> -> memref<2000000x64xf32, #tpu.memory_space<hbm>>
    tpu.wait_indirect_dma semaphore(%arg12 : memref<!tpu.dma_semaphore, #tpu.memory_space<semaphore_mem>>) src(%dma_wait3A_170 : memref<2000000x64xf32, #tpu.memory_space<hbm>>) dst(%dma_wait3A_165 : memref<128x64xf32, #tpu.memory_space<vmem>>)
    %dma_wait3A_171 = arith.constant 256 : i32
    %dma_wait3A_172 = arith.constant 0 : i32
    %dma_wait3A_173 = tpu.memref_slice %arg9[%dma_wait3A_171, %dma_wait3A_172] : memref<640x64xf32, #tpu.memory_space<vmem>> -> memref<128x64xf32, #tpu.memory_space<vmem>>
    %dma_wait3A_174 = arith.constant 896 : i32
    %dma_wait3A_175 = tpu.memref_slice %arg7[%dma_wait3A_174] : memref<2560xi32, #tpu.memory_space<vmem>> -> memref<128xi32, #tpu.memory_space<vmem>>
    %dma_wait3A_176 = arith.constant 0 : i32
    %dma_wait3A_177 = arith.constant 0 : i32
    %dma_wait3A_178 = tpu.memref_slice %arg4[%dma_wait3A_176, %dma_wait3A_177] : memref<2000000x64xf32, #tpu.memory_space<hbm>> -> memref<2000000x64xf32, #tpu.memory_space<hbm>>
    tpu.wait_indirect_dma semaphore(%arg12 : memref<!tpu.dma_semaphore, #tpu.memory_space<semaphore_mem>>) src(%dma_wait3A_178 : memref<2000000x64xf32, #tpu.memory_space<hbm>>) dst(%dma_wait3A_173 : memref<128x64xf32, #tpu.memory_space<vmem>>)
    %dma_wait3A_179 = arith.constant 384 : i32
    %dma_wait3A_180 = arith.constant 0 : i32
    %dma_wait3A_181 = tpu.memref_slice %arg9[%dma_wait3A_179, %dma_wait3A_180] : memref<640x64xf32, #tpu.memory_space<vmem>> -> memref<128x64xf32, #tpu.memory_space<vmem>>
    %dma_wait3A_182 = arith.constant 1024 : i32
    %dma_wait3A_183 = tpu.memref_slice %arg7[%dma_wait3A_182] : memref<2560xi32, #tpu.memory_space<vmem>> -> memref<128xi32, #tpu.memory_space<vmem>>
    %dma_wait3A_184 = arith.constant 0 : i32
    %dma_wait3A_185 = arith.constant 0 : i32
    %dma_wait3A_186 = tpu.memref_slice %arg4[%dma_wait3A_184, %dma_wait3A_185] : memref<2000000x64xf32, #tpu.memory_space<hbm>> -> memref<2000000x64xf32, #tpu.memory_space<hbm>>
    tpu.wait_indirect_dma semaphore(%arg12 : memref<!tpu.dma_semaphore, #tpu.memory_space<semaphore_mem>>) src(%dma_wait3A_186 : memref<2000000x64xf32, #tpu.memory_space<hbm>>) dst(%dma_wait3A_181 : memref<128x64xf32, #tpu.memory_space<vmem>>)
    %dma_wait3A_187 = arith.constant 512 : i32
    %dma_wait3A_188 = arith.constant 0 : i32
    %dma_wait3A_189 = tpu.memref_slice %arg9[%dma_wait3A_187, %dma_wait3A_188] : memref<640x64xf32, #tpu.memory_space<vmem>> -> memref<128x64xf32, #tpu.memory_space<vmem>>
    %dma_wait3A_190 = arith.constant 1152 : i32
    %dma_wait3A_191 = tpu.memref_slice %arg7[%dma_wait3A_190] : memref<2560xi32, #tpu.memory_space<vmem>> -> memref<128xi32, #tpu.memory_space<vmem>>
    %dma_wait3A_192 = arith.constant 0 : i32
    %dma_wait3A_193 = arith.constant 0 : i32
    %dma_wait3A_194 = tpu.memref_slice %arg4[%dma_wait3A_192, %dma_wait3A_193] : memref<2000000x64xf32, #tpu.memory_space<hbm>> -> memref<2000000x64xf32, #tpu.memory_space<hbm>>
    tpu.wait_indirect_dma semaphore(%arg12 : memref<!tpu.dma_semaphore, #tpu.memory_space<semaphore_mem>>) src(%dma_wait3A_194 : memref<2000000x64xf32, #tpu.memory_space<hbm>>) dst(%dma_wait3A_189 : memref<128x64xf32, #tpu.memory_space<vmem>>)
    %scan3A_195 = arith.constant 0 : i32
    %scan3A_196 = arith.constant 0 : i32
    %scan3A_197 = arith.constant 128 : i32
    %scan3A_198 = arith.addi %scan3A_196, %scan3A_197 : i32
    %scan3A_199 = arith.constant 1 : i32
    scf.for %scan3A_413 = %scan3A_196 to %scan3A_198 step %scan3A_199  : i32 {
      %get3A = arith.index_cast %scan3A_413 : i32 to index
      %get3A_414 = arith.constant 0 : index
      %get3A_415 = tpu.vector_load %arg8[%get3A, %get3A_414] {strides = array<i32>} : memref<128x64xf32, #tpu.memory_space<vmem>>, vector<16xf32>,
      %get3A_416 = arith.index_cast %scan3A_413 : i32 to index
      %get3A_417 = arith.constant 16 : index
      %get3A_418 = tpu.vector_load %arg8[%get3A_416, %get3A_417] {strides = array<i32>} : memref<128x64xf32, #tpu.memory_space<vmem>>, vector<16xf32>,
      %get3A_419 = arith.index_cast %scan3A_413 : i32 to index
      %get3A_420 = arith.constant 32 : index
      %get3A_421 = tpu.vector_load %arg8[%get3A_419, %get3A_420] {strides = array<i32>} : memref<128x64xf32, #tpu.memory_space<vmem>>, vector<16xf32>,
      %get3A_422 = arith.index_cast %scan3A_413 : i32 to index
      %get3A_423 = arith.constant 48 : index
      %get3A_424 = tpu.vector_load %arg8[%get3A_422, %get3A_423] {strides = array<i32>} : memref<128x64xf32, #tpu.memory_space<vmem>>, vector<16xf32>,
      %mul3A_425 = arith.constant 5 : i32
      %mul3A_426 = arith.muli %scan3A_413, %mul3A_425 : i32
      %add3A_427 = arith.constant 0 : i32
      %add3A_428 = arith.addi %mul3A_426, %add3A_427 : i32
      %get3A_429 = arith.index_cast %add3A_428 : i32 to index
      %get3A_430 = arith.constant 0 : index
      %get3A_431 = tpu.vector_load %arg9[%get3A_429, %get3A_430] {strides = array<i32>} : memref<640x64xf32, #tpu.memory_space<vmem>>, vector<16xf32>,
      %mul3A_432 = arith.mulf %get3A_415, %get3A_431 : vector<16xf32>
      %add3A_433 = arith.constant 0 : i32
      %add3A_434 = arith.addi %mul3A_426, %add3A_433 : i32
      %get3A_435 = arith.index_cast %add3A_434 : i32 to index
      %get3A_436 = arith.constant 16 : index
      %get3A_437 = tpu.vector_load %arg9[%get3A_435, %get3A_436] {strides = array<i32>} : memref<640x64xf32, #tpu.memory_space<vmem>>, vector<16xf32>,
      %mul3A_438 = arith.mulf %get3A_418, %get3A_437 : vector<16xf32>
      %add3A_439 = arith.addf %mul3A_432, %mul3A_438 : vector<16xf32>
      %add3A_440 = arith.constant 0 : i32
      %add3A_441 = arith.addi %mul3A_426, %add3A_440 : i32
      %get3A_442 = arith.index_cast %add3A_441 : i32 to index
      %get3A_443 = arith.constant 32 : index
      %get3A_444 = tpu.vector_load %arg9[%get3A_442, %get3A_443] {strides = array<i32>} : memref<640x64xf32, #tpu.memory_space<vmem>>, vector<16xf32>,
      %mul3A_445 = arith.mulf %get3A_421, %get3A_444 : vector<16xf32>
      %add3A_446 = arith.addf %add3A_439, %mul3A_445 : vector<16xf32>
      %add3A_447 = arith.constant 0 : i32
      %add3A_448 = arith.addi %mul3A_426, %add3A_447 : i32
      %get3A_449 = arith.index_cast %add3A_448 : i32 to index
      %get3A_450 = arith.constant 48 : index
      %get3A_451 = tpu.vector_load %arg9[%get3A_449, %get3A_450] {strides = array<i32>} : memref<640x64xf32, #tpu.memory_space<vmem>>, vector<16xf32>,
      %mul3A_452 = arith.mulf %get3A_424, %get3A_451 : vector<16xf32>
      %add3A_453 = arith.addf %add3A_446, %mul3A_452 : vector<16xf32>
      %broadcast_in_dim3A_454 = arith.constant true
      %broadcast_in_dim3A_455 = vector.broadcast %broadcast_in_dim3A_454 : i1 to vector<16xi1>
      %masked_cumsum3A = tpu.scan <sum>, %add3A_453 masked %broadcast_in_dim3A_455 : vector<16xf32>, vector<16xi1> -> vector<16xf32>
      %add3A_456 = arith.constant 0 : i32
      %add3A_457 = arith.addi %mul3A_426, %add3A_456 : i32
      %swap3A = arith.index_cast %add3A_457 : i32 to index
      %swap3A_458 = arith.constant 0 : index
      %swap3A_459 = tpu.vector_load %arg10[%swap3A, %swap3A_458] {strides = array<i32>} : memref<640x16xf32, #tpu.memory_space<vmem>>, vector<16xf32>,
      tpu.vector_store %arg10[%swap3A, %swap3A_458], %masked_cumsum3A {strides = array<i32>} : memref<640x16xf32, #tpu.memory_space<vmem>>, vector<16xf32>,
      %add3A_460 = arith.constant 1 : i32
      %add3A_461 = arith.addi %mul3A_426, %add3A_460 : i32
      %get3A_462 = arith.index_cast %add3A_461 : i32 to index
      %get3A_463 = arith.constant 0 : index
      %get3A_464 = tpu.vector_load %arg9[%get3A_462, %get3A_463] {strides = array<i32>} : memref<640x64xf32, #tpu.memory_space<vmem>>, vector<16xf32>,
      %mul3A_465 = arith.mulf %get3A_415, %get3A_464 : vector<16xf32>
      %add3A_466 = arith.constant 1 : i32
      %add3A_467 = arith.addi %mul3A_426, %add3A_466 : i32
      %get3A_468 = arith.index_cast %add3A_467 : i32 to index
      %get3A_469 = arith.constant 16 : index
      %get3A_470 = tpu.vector_load %arg9[%get3A_468, %get3A_469] {strides = array<i32>} : memref<640x64xf32, #tpu.memory_space<vmem>>, vector<16xf32>,
      %mul3A_471 = arith.mulf %get3A_418, %get3A_470 : vector<16xf32>
      %add3A_472 = arith.addf %mul3A_465, %mul3A_471 : vector<16xf32>
      %add3A_473 = arith.constant 1 : i32
      %add3A_474 = arith.addi %mul3A_426, %add3A_473 : i32
      %get3A_475 = arith.index_cast %add3A_474 : i32 to index
      %get3A_476 = arith.constant 32 : index
      %get3A_477 = tpu.vector_load %arg9[%get3A_475, %get3A_476] {strides = array<i32>} : memref<640x64xf32, #tpu.memory_space<vmem>>, vector<16xf32>,
      %mul3A_478 = arith.mulf %get3A_421, %get3A_477 : vector<16xf32>
      %add3A_479 = arith.addf %add3A_472, %mul3A_478 : vector<16xf32>
      %add3A_480 = arith.constant 1 : i32
      %add3A_481 = arith.addi %mul3A_426, %add3A_480 : i32
      %get3A_482 = arith.index_cast %add3A_481 : i32 to index
      %get3A_483 = arith.constant 48 : index
      %get3A_484 = tpu.vector_load %arg9[%get3A_482, %get3A_483] {strides = array<i32>} : memref<640x64xf32, #tpu.memory_space<vmem>>, vector<16xf32>,
      %mul3A_485 = arith.mulf %get3A_424, %get3A_484 : vector<16xf32>
      %add3A_486 = arith.addf %add3A_479, %mul3A_485 : vector<16xf32>
      %broadcast_in_dim3A_487 = arith.constant true
      %broadcast_in_dim3A_488 = vector.broadcast %broadcast_in_dim3A_487 : i1 to vector<16xi1>
      %masked_cumsum3A_489 = tpu.scan <sum>, %add3A_486 masked %broadcast_in_dim3A_488 : vector<16xf32>, vector<16xi1> -> vector<16xf32>
      %add3A_490 = arith.constant 1 : i32
      %add3A_491 = arith.addi %mul3A_426, %add3A_490 : i32
      %swap3A_492 = arith.index_cast %add3A_491 : i32 to index
      %swap3A_493 = arith.constant 0 : index
      %swap3A_494 = tpu.vector_load %arg10[%swap3A_492, %swap3A_493] {strides = array<i32>} : memref<640x16xf32, #tpu.memory_space<vmem>>, vector<16xf32>,
      tpu.vector_store %arg10[%swap3A_492, %swap3A_493], %masked_cumsum3A_489 {strides = array<i32>} : memref<640x16xf32, #tpu.memory_space<vmem>>, vector<16xf32>,
      %add3A_495 = arith.constant 2 : i32
      %add3A_496 = arith.addi %mul3A_426, %add3A_495 : i32
      %get3A_497 = arith.index_cast %add3A_496 : i32 to index
      %get3A_498 = arith.constant 0 : index
      %get3A_499 = tpu.vector_load %arg9[%get3A_497, %get3A_498] {strides = array<i32>} : memref<640x64xf32, #tpu.memory_space<vmem>>, vector<16xf32>,
      %mul3A_500 = arith.mulf %get3A_415, %get3A_499 : vector<16xf32>
      %add3A_501 = arith.constant 2 : i32
      %add3A_502 = arith.addi %mul3A_426, %add3A_501 : i32
      %get3A_503 = arith.index_cast %add3A_502 : i32 to index
      %get3A_504 = arith.constant 16 : index
      %get3A_505 = tpu.vector_load %arg9[%get3A_503, %get3A_504] {strides = array<i32>} : memref<640x64xf32, #tpu.memory_space<vmem>>, vector<16xf32>,
      %mul3A_506 = arith.mulf %get3A_418, %get3A_505 : vector<16xf32>
      %add3A_507 = arith.addf %mul3A_500, %mul3A_506 : vector<16xf32>
      %add3A_508 = arith.constant 2 : i32
      %add3A_509 = arith.addi %mul3A_426, %add3A_508 : i32
      %get3A_510 = arith.index_cast %add3A_509 : i32 to index
      %get3A_511 = arith.constant 32 : index
      %get3A_512 = tpu.vector_load %arg9[%get3A_510, %get3A_511] {strides = array<i32>} : memref<640x64xf32, #tpu.memory_space<vmem>>, vector<16xf32>,
      %mul3A_513 = arith.mulf %get3A_421, %get3A_512 : vector<16xf32>
      %add3A_514 = arith.addf %add3A_507, %mul3A_513 : vector<16xf32>
      %add3A_515 = arith.constant 2 : i32
      %add3A_516 = arith.addi %mul3A_426, %add3A_515 : i32
      %get3A_517 = arith.index_cast %add3A_516 : i32 to index
      %get3A_518 = arith.constant 48 : index
      %get3A_519 = tpu.vector_load %arg9[%get3A_517, %get3A_518] {strides = array<i32>} : memref<640x64xf32, #tpu.memory_space<vmem>>, vector<16xf32>,
      %mul3A_520 = arith.mulf %get3A_424, %get3A_519 : vector<16xf32>
      %add3A_521 = arith.addf %add3A_514, %mul3A_520 : vector<16xf32>
      %broadcast_in_dim3A_522 = arith.constant true
      %broadcast_in_dim3A_523 = vector.broadcast %broadcast_in_dim3A_522 : i1 to vector<16xi1>
      %masked_cumsum3A_524 = tpu.scan <sum>, %add3A_521 masked %broadcast_in_dim3A_523 : vector<16xf32>, vector<16xi1> -> vector<16xf32>
      %add3A_525 = arith.constant 2 : i32
      %add3A_526 = arith.addi %mul3A_426, %add3A_525 : i32
      %swap3A_527 = arith.index_cast %add3A_526 : i32 to index
      %swap3A_528 = arith.constant 0 : index
      %swap3A_529 = tpu.vector_load %arg10[%swap3A_527, %swap3A_528] {strides = array<i32>} : memref<640x16xf32, #tpu.memory_space<vmem>>, vector<16xf32>,
      tpu.vector_store %arg10[%swap3A_527, %swap3A_528], %masked_cumsum3A_524 {strides = array<i32>} : memref<640x16xf32, #tpu.memory_space<vmem>>, vector<16xf32>,
      %add3A_530 = arith.constant 3 : i32
      %add3A_531 = arith.addi %mul3A_426, %add3A_530 : i32
      %get3A_532 = arith.index_cast %add3A_531 : i32 to index
      %get3A_533 = arith.constant 0 : index
      %get3A_534 = tpu.vector_load %arg9[%get3A_532, %get3A_533] {strides = array<i32>} : memref<640x64xf32, #tpu.memory_space<vmem>>, vector<16xf32>,
      %mul3A_535 = arith.mulf %get3A_415, %get3A_534 : vector<16xf32>
      %add3A_536 = arith.constant 3 : i32
      %add3A_537 = arith.addi %mul3A_426, %add3A_536 : i32
      %get3A_538 = arith.index_cast %add3A_537 : i32 to index
      %get3A_539 = arith.constant 16 : index
      %get3A_540 = tpu.vector_load %arg9[%get3A_538, %get3A_539] {strides = array<i32>} : memref<640x64xf32, #tpu.memory_space<vmem>>, vector<16xf32>,
      %mul3A_541 = arith.mulf %get3A_418, %get3A_540 : vector<16xf32>
      %add3A_542 = arith.addf %mul3A_535, %mul3A_541 : vector<16xf32>
      %add3A_543 = arith.constant 3 : i32
      %add3A_544 = arith.addi %mul3A_426, %add3A_543 : i32
      %get3A_545 = arith.index_cast %add3A_544 : i32 to index
      %get3A_546 = arith.constant 32 : index
      %get3A_547 = tpu.vector_load %arg9[%get3A_545, %get3A_546] {strides = array<i32>} : memref<640x64xf32, #tpu.memory_space<vmem>>, vector<16xf32>,
      %mul3A_548 = arith.mulf %get3A_421, %get3A_547 : vector<16xf32>
      %add3A_549 = arith.addf %add3A_542, %mul3A_548 : vector<16xf32>
      %add3A_550 = arith.constant 3 : i32
      %add3A_551 = arith.addi %mul3A_426, %add3A_550 : i32
      %get3A_552 = arith.index_cast %add3A_551 : i32 to index
      %get3A_553 = arith.constant 48 : index
      %get3A_554 = tpu.vector_load %arg9[%get3A_552, %get3A_553] {strides = array<i32>} : memref<640x64xf32, #tpu.memory_space<vmem>>, vector<16xf32>,
      %mul3A_555 = arith.mulf %get3A_424, %get3A_554 : vector<16xf32>
      %add3A_556 = arith.addf %add3A_549, %mul3A_555 : vector<16xf32>
      %broadcast_in_dim3A_557 = arith.constant true
      %broadcast_in_dim3A_558 = vector.broadcast %broadcast_in_dim3A_557 : i1 to vector<16xi1>
      %masked_cumsum3A_559 = tpu.scan <sum>, %add3A_556 masked %broadcast_in_dim3A_558 : vector<16xf32>, vector<16xi1> -> vector<16xf32>
      %add3A_560 = arith.constant 3 : i32
      %add3A_561 = arith.addi %mul3A_426, %add3A_560 : i32
      %swap3A_562 = arith.index_cast %add3A_561 : i32 to index
      %swap3A_563 = arith.constant 0 : index
      %swap3A_564 = tpu.vector_load %arg10[%swap3A_562, %swap3A_563] {strides = array<i32>} : memref<640x16xf32, #tpu.memory_space<vmem>>, vector<16xf32>,
      tpu.vector_store %arg10[%swap3A_562, %swap3A_563], %masked_cumsum3A_559 {strides = array<i32>} : memref<640x16xf32, #tpu.memory_space<vmem>>, vector<16xf32>,
      %add3A_565 = arith.constant 4 : i32
      %add3A_566 = arith.addi %mul3A_426, %add3A_565 : i32
      %get3A_567 = arith.index_cast %add3A_566 : i32 to index
      %get3A_568 = arith.constant 0 : index
      %get3A_569 = tpu.vector_load %arg9[%get3A_567, %get3A_568] {strides = array<i32>} : memref<640x64xf32, #tpu.memory_space<vmem>>, vector<16xf32>,
      %mul3A_570 = arith.mulf %get3A_415, %get3A_569 : vector<16xf32>
      %add3A_571 = arith.constant 4 : i32
      %add3A_572 = arith.addi %mul3A_426, %add3A_571 : i32
      %get3A_573 = arith.index_cast %add3A_572 : i32 to index
      %get3A_574 = arith.constant 16 : index
      %get3A_575 = tpu.vector_load %arg9[%get3A_573, %get3A_574] {strides = array<i32>} : memref<640x64xf32, #tpu.memory_space<vmem>>, vector<16xf32>,
      %mul3A_576 = arith.mulf %get3A_418, %get3A_575 : vector<16xf32>
      %add3A_577 = arith.addf %mul3A_570, %mul3A_576 : vector<16xf32>
      %add3A_578 = arith.constant 4 : i32
      %add3A_579 = arith.addi %mul3A_426, %add3A_578 : i32
      %get3A_580 = arith.index_cast %add3A_579 : i32 to index
      %get3A_581 = arith.constant 32 : index
      %get3A_582 = tpu.vector_load %arg9[%get3A_580, %get3A_581] {strides = array<i32>} : memref<640x64xf32, #tpu.memory_space<vmem>>, vector<16xf32>,
      %mul3A_583 = arith.mulf %get3A_421, %get3A_582 : vector<16xf32>
      %add3A_584 = arith.addf %add3A_577, %mul3A_583 : vector<16xf32>
      %add3A_585 = arith.constant 4 : i32
      %add3A_586 = arith.addi %mul3A_426, %add3A_585 : i32
      %get3A_587 = arith.index_cast %add3A_586 : i32 to index
      %get3A_588 = arith.constant 48 : index
      %get3A_589 = tpu.vector_load %arg9[%get3A_587, %get3A_588] {strides = array<i32>} : memref<640x64xf32, #tpu.memory_space<vmem>>, vector<16xf32>,
      %mul3A_590 = arith.mulf %get3A_424, %get3A_589 : vector<16xf32>
      %add3A_591 = arith.addf %add3A_584, %mul3A_590 : vector<16xf32>
      %broadcast_in_dim3A_592 = arith.constant true
      %broadcast_in_dim3A_593 = vector.broadcast %broadcast_in_dim3A_592 : i1 to vector<16xi1>
      %masked_cumsum3A_594 = tpu.scan <sum>, %add3A_591 masked %broadcast_in_dim3A_593 : vector<16xf32>, vector<16xi1> -> vector<16xf32>
      %add3A_595 = arith.constant 4 : i32
      %add3A_596 = arith.addi %mul3A_426, %add3A_595 : i32
      %swap3A_597 = arith.index_cast %add3A_596 : i32 to index
      %swap3A_598 = arith.constant 0 : index
      %swap3A_599 = tpu.vector_load %arg10[%swap3A_597, %swap3A_598] {strides = array<i32>} : memref<640x16xf32, #tpu.memory_space<vmem>>, vector<16xf32>,
      tpu.vector_store %arg10[%swap3A_597, %swap3A_598], %masked_cumsum3A_594 {strides = array<i32>} : memref<640x16xf32, #tpu.memory_space<vmem>>, vector<16xf32>,
    }
    %scan3A_200 = arith.constant 128 : i32
    %scan3A_201 = arith.constant 0 : i32
    %scan3A_202 = arith.constant 0 : i32
    %scan3A_203 = arith.constant 40 : i32
    %scan3A_204 = arith.addi %scan3A_202, %scan3A_203 : i32
    %scan3A_205 = arith.constant 1 : i32
    scf.for %scan3A_413 = %scan3A_202 to %scan3A_204 step %scan3A_205  : i32 {
      %mul3A_414 = arith.constant 16 : i32
      %mul3A_415 = arith.muli %scan3A_413, %mul3A_414 : i32
      %add3A_416 = vector.broadcast %mul3A_415 : i32 to vector<16xi32>
      %add3A_417 = arith.addi %add3A_416, %iota3A : vector<16xi32>
      %gather3A = tpu.vector_load_idx %arg10[%add3A_417, %broadcast_in_dim3A_5] : memref<640x16xf32, #tpu.memory_space<vmem>>[vector<16xi32>, vector<16xi32>], vector<16xf32>,
      %mul3A_418 = arith.constant 16 : i32
      %mul3A_419 = arith.muli %scan3A_413, %mul3A_418 : i32
      %add3A_420 = arith.constant 640 : i32
      %add3A_421 = arith.addi %add3A_420, %mul3A_419 : i32
      %swap3A = arith.index_cast %add3A_421 : i32 to index
      %swap3A_422 = tpu.vector_load %arg11[%swap3A] {strides = array<i32>} : memref<2560xf32, #tpu.memory_space<vmem>>, vector<16xf32>,
      tpu.vector_store %arg11[%swap3A], %gather3A {strides = array<i32>} : memref<2560xf32, #tpu.memory_space<vmem>>, vector<16xf32>,
    }
    %scan3A_206 = arith.constant 40 : i32
    %dma_start3A_207 = arith.constant 256 : i32
    %dma_start3A_208 = tpu.memref_slice %arg6[%dma_start3A_207] : memref<512xi32, #tpu.memory_space<vmem>> -> memref<128xi32, #tpu.memory_space<vmem>>
    %dma_start3A_209 = arith.constant 0 : i32
    %dma_start3A_210 = arith.constant 0 : i32
    %dma_start3A_211 = tpu.memref_slice %arg4[%dma_start3A_209, %dma_start3A_210] : memref<2000000x64xf32, #tpu.memory_space<hbm>> -> memref<2000000x64xf32, #tpu.memory_space<hbm>>
    tpu.enqueue_indirect_dma source(%dma_start3A_211 : memref<2000000x64xf32, #tpu.memory_space<hbm>>) target(%arg8 : memref<128x64xf32, #tpu.memory_space<vmem>>) offsets(%dma_start3A_208 : memref<128xi32, #tpu.memory_space<vmem>>) semaphore(%arg12 : memref<!tpu.dma_semaphore, #tpu.memory_space<semaphore_mem>>)
    %dma_start3A_212 = arith.constant 0 : i32
    %dma_start3A_213 = arith.constant 0 : i32
    %dma_start3A_214 = tpu.memref_slice %arg9[%dma_start3A_212, %dma_start3A_213] : memref<640x64xf32, #tpu.memory_space<vmem>> -> memref<128x64xf32, #tpu.memory_space<vmem>>
    %dma_start3A_215 = arith.constant 1280 : i32
    %dma_start3A_216 = tpu.memref_slice %arg7[%dma_start3A_215] : memref<2560xi32, #tpu.memory_space<vmem>> -> memref<128xi32, #tpu.memory_space<vmem>>
    %dma_start3A_217 = arith.constant 0 : i32
    %dma_start3A_218 = arith.constant 0 : i32
    %dma_start3A_219 = tpu.memref_slice %arg4[%dma_start3A_217, %dma_start3A_218] : memref<2000000x64xf32, #tpu.memory_space<hbm>> -> memref<2000000x64xf32, #tpu.memory_space<hbm>>
    tpu.enqueue_indirect_dma source(%dma_start3A_219 : memref<2000000x64xf32, #tpu.memory_space<hbm>>) target(%dma_start3A_214 : memref<128x64xf32, #tpu.memory_space<vmem>>) offsets(%dma_start3A_216 : memref<128xi32, #tpu.memory_space<vmem>>) semaphore(%arg12 : memref<!tpu.dma_semaphore, #tpu.memory_space<semaphore_mem>>)
    %dma_start3A_220 = arith.constant 128 : i32
    %dma_start3A_221 = arith.constant 0 : i32
    %dma_start3A_222 = tpu.memref_slice %arg9[%dma_start3A_220, %dma_start3A_221] : memref<640x64xf32, #tpu.memory_space<vmem>> -> memref<128x64xf32, #tpu.memory_space<vmem>>
    %dma_start3A_223 = arith.constant 1408 : i32
    %dma_start3A_224 = tpu.memref_slice %arg7[%dma_start3A_223] : memref<2560xi32, #tpu.memory_space<vmem>> -> memref<128xi32, #tpu.memory_space<vmem>>
    %dma_start3A_225 = arith.constant 0 : i32
    %dma_start3A_226 = arith.constant 0 : i32
    %dma_start3A_227 = tpu.memref_slice %arg4[%dma_start3A_225, %dma_start3A_226] : memref<2000000x64xf32, #tpu.memory_space<hbm>> -> memref<2000000x64xf32, #tpu.memory_space<hbm>>
    tpu.enqueue_indirect_dma source(%dma_start3A_227 : memref<2000000x64xf32, #tpu.memory_space<hbm>>) target(%dma_start3A_222 : memref<128x64xf32, #tpu.memory_space<vmem>>) offsets(%dma_start3A_224 : memref<128xi32, #tpu.memory_space<vmem>>) semaphore(%arg12 : memref<!tpu.dma_semaphore, #tpu.memory_space<semaphore_mem>>)
    %dma_start3A_228 = arith.constant 256 : i32
    %dma_start3A_229 = arith.constant 0 : i32
    %dma_start3A_230 = tpu.memref_slice %arg9[%dma_start3A_228, %dma_start3A_229] : memref<640x64xf32, #tpu.memory_space<vmem>> -> memref<128x64xf32, #tpu.memory_space<vmem>>
    %dma_start3A_231 = arith.constant 1536 : i32
    %dma_start3A_232 = tpu.memref_slice %arg7[%dma_start3A_231] : memref<2560xi32, #tpu.memory_space<vmem>> -> memref<128xi32, #tpu.memory_space<vmem>>
    %dma_start3A_233 = arith.constant 0 : i32
    %dma_start3A_234 = arith.constant 0 : i32
    %dma_start3A_235 = tpu.memref_slice %arg4[%dma_start3A_233, %dma_start3A_234] : memref<2000000x64xf32, #tpu.memory_space<hbm>> -> memref<2000000x64xf32, #tpu.memory_space<hbm>>
    tpu.enqueue_indirect_dma source(%dma_start3A_235 : memref<2000000x64xf32, #tpu.memory_space<hbm>>) target(%dma_start3A_230 : memref<128x64xf32, #tpu.memory_space<vmem>>) offsets(%dma_start3A_232 : memref<128xi32, #tpu.memory_space<vmem>>) semaphore(%arg12 : memref<!tpu.dma_semaphore, #tpu.memory_space<semaphore_mem>>)
    %dma_start3A_236 = arith.constant 384 : i32
    %dma_start3A_237 = arith.constant 0 : i32
    %dma_start3A_238 = tpu.memref_slice %arg9[%dma_start3A_236, %dma_start3A_237] : memref<640x64xf32, #tpu.memory_space<vmem>> -> memref<128x64xf32, #tpu.memory_space<vmem>>
    %dma_start3A_239 = arith.constant 1664 : i32
    %dma_start3A_240 = tpu.memref_slice %arg7[%dma_start3A_239] : memref<2560xi32, #tpu.memory_space<vmem>> -> memref<128xi32, #tpu.memory_space<vmem>>
    %dma_start3A_241 = arith.constant 0 : i32
    %dma_start3A_242 = arith.constant 0 : i32
    %dma_start3A_243 = tpu.memref_slice %arg4[%dma_start3A_241, %dma_start3A_242] : memref<2000000x64xf32, #tpu.memory_space<hbm>> -> memref<2000000x64xf32, #tpu.memory_space<hbm>>
    tpu.enqueue_indirect_dma source(%dma_start3A_243 : memref<2000000x64xf32, #tpu.memory_space<hbm>>) target(%dma_start3A_238 : memref<128x64xf32, #tpu.memory_space<vmem>>) offsets(%dma_start3A_240 : memref<128xi32, #tpu.memory_space<vmem>>) semaphore(%arg12 : memref<!tpu.dma_semaphore, #tpu.memory_space<semaphore_mem>>)
    %dma_start3A_244 = arith.constant 512 : i32
    %dma_start3A_245 = arith.constant 0 : i32
    %dma_start3A_246 = tpu.memref_slice %arg9[%dma_start3A_244, %dma_start3A_245] : memref<640x64xf32, #tpu.memory_space<vmem>> -> memref<128x64xf32, #tpu.memory_space<vmem>>
    %dma_start3A_247 = arith.constant 1792 : i32
    %dma_start3A_248 = tpu.memref_slice %arg7[%dma_start3A_247] : memref<2560xi32, #tpu.memory_space<vmem>> -> memref<128xi32, #tpu.memory_space<vmem>>
    %dma_start3A_249 = arith.constant 0 : i32
    %dma_start3A_250 = arith.constant 0 : i32
    %dma_start3A_251 = tpu.memref_slice %arg4[%dma_start3A_249, %dma_start3A_250] : memref<2000000x64xf32, #tpu.memory_space<hbm>> -> memref<2000000x64xf32, #tpu.memory_space<hbm>>
    tpu.enqueue_indirect_dma source(%dma_start3A_251 : memref<2000000x64xf32, #tpu.memory_space<hbm>>) target(%dma_start3A_246 : memref<128x64xf32, #tpu.memory_space<vmem>>) offsets(%dma_start3A_248 : memref<128xi32, #tpu.memory_space<vmem>>) semaphore(%arg12 : memref<!tpu.dma_semaphore, #tpu.memory_space<semaphore_mem>>)
    %dma_wait3A_252 = arith.constant 256 : i32
    %dma_wait3A_253 = tpu.memref_slice %arg6[%dma_wait3A_252] : memref<512xi32, #tpu.memory_space<vmem>> -> memref<128xi32, #tpu.memory_space<vmem>>
    %dma_wait3A_254 = arith.constant 0 : i32
    %dma_wait3A_255 = arith.constant 0 : i32
    %dma_wait3A_256 = tpu.memref_slice %arg4[%dma_wait3A_254, %dma_wait3A_255] : memref<2000000x64xf32, #tpu.memory_space<hbm>> -> memref<2000000x64xf32, #tpu.memory_space<hbm>>
    tpu.wait_indirect_dma semaphore(%arg12 : memref<!tpu.dma_semaphore, #tpu.memory_space<semaphore_mem>>) src(%dma_wait3A_256 : memref<2000000x64xf32, #tpu.memory_space<hbm>>) dst(%arg8 : memref<128x64xf32, #tpu.memory_space<vmem>>)
    %dma_wait3A_257 = arith.constant 0 : i32
    %dma_wait3A_258 = arith.constant 0 : i32
    %dma_wait3A_259 = tpu.memref_slice %arg9[%dma_wait3A_257, %dma_wait3A_258] : memref<640x64xf32, #tpu.memory_space<vmem>> -> memref<128x64xf32, #tpu.memory_space<vmem>>
    %dma_wait3A_260 = arith.constant 1280 : i32
    %dma_wait3A_261 = tpu.memref_slice %arg7[%dma_wait3A_260] : memref<2560xi32, #tpu.memory_space<vmem>> -> memref<128xi32, #tpu.memory_space<vmem>>
    %dma_wait3A_262 = arith.constant 0 : i32
    %dma_wait3A_263 = arith.constant 0 : i32
    %dma_wait3A_264 = tpu.memref_slice %arg4[%dma_wait3A_262, %dma_wait3A_263] : memref<2000000x64xf32, #tpu.memory_space<hbm>> -> memref<2000000x64xf32, #tpu.memory_space<hbm>>
    tpu.wait_indirect_dma semaphore(%arg12 : memref<!tpu.dma_semaphore, #tpu.memory_space<semaphore_mem>>) src(%dma_wait3A_264 : memref<2000000x64xf32, #tpu.memory_space<hbm>>) dst(%dma_wait3A_259 : memref<128x64xf32, #tpu.memory_space<vmem>>)
    %dma_wait3A_265 = arith.constant 128 : i32
    %dma_wait3A_266 = arith.constant 0 : i32
    %dma_wait3A_267 = tpu.memref_slice %arg9[%dma_wait3A_265, %dma_wait3A_266] : memref<640x64xf32, #tpu.memory_space<vmem>> -> memref<128x64xf32, #tpu.memory_space<vmem>>
    %dma_wait3A_268 = arith.constant 1408 : i32
    %dma_wait3A_269 = tpu.memref_slice %arg7[%dma_wait3A_268] : memref<2560xi32, #tpu.memory_space<vmem>> -> memref<128xi32, #tpu.memory_space<vmem>>
    %dma_wait3A_270 = arith.constant 0 : i32
    %dma_wait3A_271 = arith.constant 0 : i32
    %dma_wait3A_272 = tpu.memref_slice %arg4[%dma_wait3A_270, %dma_wait3A_271] : memref<2000000x64xf32, #tpu.memory_space<hbm>> -> memref<2000000x64xf32, #tpu.memory_space<hbm>>
    tpu.wait_indirect_dma semaphore(%arg12 : memref<!tpu.dma_semaphore, #tpu.memory_space<semaphore_mem>>) src(%dma_wait3A_272 : memref<2000000x64xf32, #tpu.memory_space<hbm>>) dst(%dma_wait3A_267 : memref<128x64xf32, #tpu.memory_space<vmem>>)
    %dma_wait3A_273 = arith.constant 256 : i32
    %dma_wait3A_274 = arith.constant 0 : i32
    %dma_wait3A_275 = tpu.memref_slice %arg9[%dma_wait3A_273, %dma_wait3A_274] : memref<640x64xf32, #tpu.memory_space<vmem>> -> memref<128x64xf32, #tpu.memory_space<vmem>>
    %dma_wait3A_276 = arith.constant 1536 : i32
    %dma_wait3A_277 = tpu.memref_slice %arg7[%dma_wait3A_276] : memref<2560xi32, #tpu.memory_space<vmem>> -> memref<128xi32, #tpu.memory_space<vmem>>
    %dma_wait3A_278 = arith.constant 0 : i32
    %dma_wait3A_279 = arith.constant 0 : i32
    %dma_wait3A_280 = tpu.memref_slice %arg4[%dma_wait3A_278, %dma_wait3A_279] : memref<2000000x64xf32, #tpu.memory_space<hbm>> -> memref<2000000x64xf32, #tpu.memory_space<hbm>>
    tpu.wait_indirect_dma semaphore(%arg12 : memref<!tpu.dma_semaphore, #tpu.memory_space<semaphore_mem>>) src(%dma_wait3A_280 : memref<2000000x64xf32, #tpu.memory_space<hbm>>) dst(%dma_wait3A_275 : memref<128x64xf32, #tpu.memory_space<vmem>>)
    %dma_wait3A_281 = arith.constant 384 : i32
    %dma_wait3A_282 = arith.constant 0 : i32
    %dma_wait3A_283 = tpu.memref_slice %arg9[%dma_wait3A_281, %dma_wait3A_282] : memref<640x64xf32, #tpu.memory_space<vmem>> -> memref<128x64xf32, #tpu.memory_space<vmem>>
    %dma_wait3A_284 = arith.constant 1664 : i32
    %dma_wait3A_285 = tpu.memref_slice %arg7[%dma_wait3A_284] : memref<2560xi32, #tpu.memory_space<vmem>> -> memref<128xi32, #tpu.memory_space<vmem>>
    %dma_wait3A_286 = arith.constant 0 : i32
    %dma_wait3A_287 = arith.constant 0 : i32
    %dma_wait3A_288 = tpu.memref_slice %arg4[%dma_wait3A_286, %dma_wait3A_287] : memref<2000000x64xf32, #tpu.memory_space<hbm>> -> memref<2000000x64xf32, #tpu.memory_space<hbm>>
    tpu.wait_indirect_dma semaphore(%arg12 : memref<!tpu.dma_semaphore, #tpu.memory_space<semaphore_mem>>) src(%dma_wait3A_288 : memref<2000000x64xf32, #tpu.memory_space<hbm>>) dst(%dma_wait3A_283 : memref<128x64xf32, #tpu.memory_space<vmem>>)
    %dma_wait3A_289 = arith.constant 512 : i32
    %dma_wait3A_290 = arith.constant 0 : i32
    %dma_wait3A_291 = tpu.memref_slice %arg9[%dma_wait3A_289, %dma_wait3A_290] : memref<640x64xf32, #tpu.memory_space<vmem>> -> memref<128x64xf32, #tpu.memory_space<vmem>>
    %dma_wait3A_292 = arith.constant 1792 : i32
    %dma_wait3A_293 = tpu.memref_slice %arg7[%dma_wait3A_292] : memref<2560xi32, #tpu.memory_space<vmem>> -> memref<128xi32, #tpu.memory_space<vmem>>
    %dma_wait3A_294 = arith.constant 0 : i32
    %dma_wait3A_295 = arith.constant 0 : i32
    %dma_wait3A_296 = tpu.memref_slice %arg4[%dma_wait3A_294, %dma_wait3A_295] : memref<2000000x64xf32, #tpu.memory_space<hbm>> -> memref<2000000x64xf32, #tpu.memory_space<hbm>>
    tpu.wait_indirect_dma semaphore(%arg12 : memref<!tpu.dma_semaphore, #tpu.memory_space<semaphore_mem>>) src(%dma_wait3A_296 : memref<2000000x64xf32, #tpu.memory_space<hbm>>) dst(%dma_wait3A_291 : memref<128x64xf32, #tpu.memory_space<vmem>>)
    %scan3A_297 = arith.constant 0 : i32
    %scan3A_298 = arith.constant 0 : i32
    %scan3A_299 = arith.constant 128 : i32
    %scan3A_300 = arith.addi %scan3A_298, %scan3A_299 : i32
    %scan3A_301 = arith.constant 1 : i32
    scf.for %scan3A_413 = %scan3A_298 to %scan3A_300 step %scan3A_301  : i32 {
      %get3A = arith.index_cast %scan3A_413 : i32 to index
      %get3A_414 = arith.constant 0 : index
      %get3A_415 = tpu.vector_load %arg8[%get3A, %get3A_414] {strides = array<i32>} : memref<128x64xf32, #tpu.memory_space<vmem>>, vector<16xf32>,
      %get3A_416 = arith.index_cast %scan3A_413 : i32 to index
      %get3A_417 = arith.constant 16 : index
      %get3A_418 = tpu.vector_load %arg8[%get3A_416, %get3A_417] {strides = array<i32>} : memref<128x64xf32, #tpu.memory_space<vmem>>, vector<16xf32>,
      %get3A_419 = arith.index_cast %scan3A_413 : i32 to index
      %get3A_420 = arith.constant 32 : index
      %get3A_421 = tpu.vector_load %arg8[%get3A_419, %get3A_420] {strides = array<i32>} : memref<128x64xf32, #tpu.memory_space<vmem>>, vector<16xf32>,
      %get3A_422 = arith.index_cast %scan3A_413 : i32 to index
      %get3A_423 = arith.constant 48 : index
      %get3A_424 = tpu.vector_load %arg8[%get3A_422, %get3A_423] {strides = array<i32>} : memref<128x64xf32, #tpu.memory_space<vmem>>, vector<16xf32>,
      %mul3A_425 = arith.constant 5 : i32
      %mul3A_426 = arith.muli %scan3A_413, %mul3A_425 : i32
      %add3A_427 = arith.constant 0 : i32
      %add3A_428 = arith.addi %mul3A_426, %add3A_427 : i32
      %get3A_429 = arith.index_cast %add3A_428 : i32 to index
      %get3A_430 = arith.constant 0 : index
      %get3A_431 = tpu.vector_load %arg9[%get3A_429, %get3A_430] {strides = array<i32>} : memref<640x64xf32, #tpu.memory_space<vmem>>, vector<16xf32>,
      %mul3A_432 = arith.mulf %get3A_415, %get3A_431 : vector<16xf32>
      %add3A_433 = arith.constant 0 : i32
      %add3A_434 = arith.addi %mul3A_426, %add3A_433 : i32
      %get3A_435 = arith.index_cast %add3A_434 : i32 to index
      %get3A_436 = arith.constant 16 : index
      %get3A_437 = tpu.vector_load %arg9[%get3A_435, %get3A_436] {strides = array<i32>} : memref<640x64xf32, #tpu.memory_space<vmem>>, vector<16xf32>,
      %mul3A_438 = arith.mulf %get3A_418, %get3A_437 : vector<16xf32>
      %add3A_439 = arith.addf %mul3A_432, %mul3A_438 : vector<16xf32>
      %add3A_440 = arith.constant 0 : i32
      %add3A_441 = arith.addi %mul3A_426, %add3A_440 : i32
      %get3A_442 = arith.index_cast %add3A_441 : i32 to index
      %get3A_443 = arith.constant 32 : index
      %get3A_444 = tpu.vector_load %arg9[%get3A_442, %get3A_443] {strides = array<i32>} : memref<640x64xf32, #tpu.memory_space<vmem>>, vector<16xf32>,
      %mul3A_445 = arith.mulf %get3A_421, %get3A_444 : vector<16xf32>
      %add3A_446 = arith.addf %add3A_439, %mul3A_445 : vector<16xf32>
      %add3A_447 = arith.constant 0 : i32
      %add3A_448 = arith.addi %mul3A_426, %add3A_447 : i32
      %get3A_449 = arith.index_cast %add3A_448 : i32 to index
      %get3A_450 = arith.constant 48 : index
      %get3A_451 = tpu.vector_load %arg9[%get3A_449, %get3A_450] {strides = array<i32>} : memref<640x64xf32, #tpu.memory_space<vmem>>, vector<16xf32>,
      %mul3A_452 = arith.mulf %get3A_424, %get3A_451 : vector<16xf32>
      %add3A_453 = arith.addf %add3A_446, %mul3A_452 : vector<16xf32>
      %broadcast_in_dim3A_454 = arith.constant true
      %broadcast_in_dim3A_455 = vector.broadcast %broadcast_in_dim3A_454 : i1 to vector<16xi1>
      %masked_cumsum3A = tpu.scan <sum>, %add3A_453 masked %broadcast_in_dim3A_455 : vector<16xf32>, vector<16xi1> -> vector<16xf32>
      %add3A_456 = arith.constant 0 : i32
      %add3A_457 = arith.addi %mul3A_426, %add3A_456 : i32
      %swap3A = arith.index_cast %add3A_457 : i32 to index
      %swap3A_458 = arith.constant 0 : index
      %swap3A_459 = tpu.vector_load %arg10[%swap3A, %swap3A_458] {strides = array<i32>} : memref<640x16xf32, #tpu.memory_space<vmem>>, vector<16xf32>,
      tpu.vector_store %arg10[%swap3A, %swap3A_458], %masked_cumsum3A {strides = array<i32>} : memref<640x16xf32, #tpu.memory_space<vmem>>, vector<16xf32>,
      %add3A_460 = arith.constant 1 : i32
      %add3A_461 = arith.addi %mul3A_426, %add3A_460 : i32
      %get3A_462 = arith.index_cast %add3A_461 : i32 to index
      %get3A_463 = arith.constant 0 : index
      %get3A_464 = tpu.vector_load %arg9[%get3A_462, %get3A_463] {strides = array<i32>} : memref<640x64xf32, #tpu.memory_space<vmem>>, vector<16xf32>,
      %mul3A_465 = arith.mulf %get3A_415, %get3A_464 : vector<16xf32>
      %add3A_466 = arith.constant 1 : i32
      %add3A_467 = arith.addi %mul3A_426, %add3A_466 : i32
      %get3A_468 = arith.index_cast %add3A_467 : i32 to index
      %get3A_469 = arith.constant 16 : index
      %get3A_470 = tpu.vector_load %arg9[%get3A_468, %get3A_469] {strides = array<i32>} : memref<640x64xf32, #tpu.memory_space<vmem>>, vector<16xf32>,
      %mul3A_471 = arith.mulf %get3A_418, %get3A_470 : vector<16xf32>
      %add3A_472 = arith.addf %mul3A_465, %mul3A_471 : vector<16xf32>
      %add3A_473 = arith.constant 1 : i32
      %add3A_474 = arith.addi %mul3A_426, %add3A_473 : i32
      %get3A_475 = arith.index_cast %add3A_474 : i32 to index
      %get3A_476 = arith.constant 32 : index
      %get3A_477 = tpu.vector_load %arg9[%get3A_475, %get3A_476] {strides = array<i32>} : memref<640x64xf32, #tpu.memory_space<vmem>>, vector<16xf32>,
      %mul3A_478 = arith.mulf %get3A_421, %get3A_477 : vector<16xf32>
      %add3A_479 = arith.addf %add3A_472, %mul3A_478 : vector<16xf32>
      %add3A_480 = arith.constant 1 : i32
      %add3A_481 = arith.addi %mul3A_426, %add3A_480 : i32
      %get3A_482 = arith.index_cast %add3A_481 : i32 to index
      %get3A_483 = arith.constant 48 : index
      %get3A_484 = tpu.vector_load %arg9[%get3A_482, %get3A_483] {strides = array<i32>} : memref<640x64xf32, #tpu.memory_space<vmem>>, vector<16xf32>,
      %mul3A_485 = arith.mulf %get3A_424, %get3A_484 : vector<16xf32>
      %add3A_486 = arith.addf %add3A_479, %mul3A_485 : vector<16xf32>
      %broadcast_in_dim3A_487 = arith.constant true
      %broadcast_in_dim3A_488 = vector.broadcast %broadcast_in_dim3A_487 : i1 to vector<16xi1>
      %masked_cumsum3A_489 = tpu.scan <sum>, %add3A_486 masked %broadcast_in_dim3A_488 : vector<16xf32>, vector<16xi1> -> vector<16xf32>
      %add3A_490 = arith.constant 1 : i32
      %add3A_491 = arith.addi %mul3A_426, %add3A_490 : i32
      %swap3A_492 = arith.index_cast %add3A_491 : i32 to index
      %swap3A_493 = arith.constant 0 : index
      %swap3A_494 = tpu.vector_load %arg10[%swap3A_492, %swap3A_493] {strides = array<i32>} : memref<640x16xf32, #tpu.memory_space<vmem>>, vector<16xf32>,
      tpu.vector_store %arg10[%swap3A_492, %swap3A_493], %masked_cumsum3A_489 {strides = array<i32>} : memref<640x16xf32, #tpu.memory_space<vmem>>, vector<16xf32>,
      %add3A_495 = arith.constant 2 : i32
      %add3A_496 = arith.addi %mul3A_426, %add3A_495 : i32
      %get3A_497 = arith.index_cast %add3A_496 : i32 to index
      %get3A_498 = arith.constant 0 : index
      %get3A_499 = tpu.vector_load %arg9[%get3A_497, %get3A_498] {strides = array<i32>} : memref<640x64xf32, #tpu.memory_space<vmem>>, vector<16xf32>,
      %mul3A_500 = arith.mulf %get3A_415, %get3A_499 : vector<16xf32>
      %add3A_501 = arith.constant 2 : i32
      %add3A_502 = arith.addi %mul3A_426, %add3A_501 : i32
      %get3A_503 = arith.index_cast %add3A_502 : i32 to index
      %get3A_504 = arith.constant 16 : index
      %get3A_505 = tpu.vector_load %arg9[%get3A_503, %get3A_504] {strides = array<i32>} : memref<640x64xf32, #tpu.memory_space<vmem>>, vector<16xf32>,
      %mul3A_506 = arith.mulf %get3A_418, %get3A_505 : vector<16xf32>
      %add3A_507 = arith.addf %mul3A_500, %mul3A_506 : vector<16xf32>
      %add3A_508 = arith.constant 2 : i32
      %add3A_509 = arith.addi %mul3A_426, %add3A_508 : i32
      %get3A_510 = arith.index_cast %add3A_509 : i32 to index
      %get3A_511 = arith.constant 32 : index
      %get3A_512 = tpu.vector_load %arg9[%get3A_510, %get3A_511] {strides = array<i32>} : memref<640x64xf32, #tpu.memory_space<vmem>>, vector<16xf32>,
      %mul3A_513 = arith.mulf %get3A_421, %get3A_512 : vector<16xf32>
      %add3A_514 = arith.addf %add3A_507, %mul3A_513 : vector<16xf32>
      %add3A_515 = arith.constant 2 : i32
      %add3A_516 = arith.addi %mul3A_426, %add3A_515 : i32
      %get3A_517 = arith.index_cast %add3A_516 : i32 to index
      %get3A_518 = arith.constant 48 : index
      %get3A_519 = tpu.vector_load %arg9[%get3A_517, %get3A_518] {strides = array<i32>} : memref<640x64xf32, #tpu.memory_space<vmem>>, vector<16xf32>,
      %mul3A_520 = arith.mulf %get3A_424, %get3A_519 : vector<16xf32>
      %add3A_521 = arith.addf %add3A_514, %mul3A_520 : vector<16xf32>
      %broadcast_in_dim3A_522 = arith.constant true
      %broadcast_in_dim3A_523 = vector.broadcast %broadcast_in_dim3A_522 : i1 to vector<16xi1>
      %masked_cumsum3A_524 = tpu.scan <sum>, %add3A_521 masked %broadcast_in_dim3A_523 : vector<16xf32>, vector<16xi1> -> vector<16xf32>
      %add3A_525 = arith.constant 2 : i32
      %add3A_526 = arith.addi %mul3A_426, %add3A_525 : i32
      %swap3A_527 = arith.index_cast %add3A_526 : i32 to index
      %swap3A_528 = arith.constant 0 : index
      %swap3A_529 = tpu.vector_load %arg10[%swap3A_527, %swap3A_528] {strides = array<i32>} : memref<640x16xf32, #tpu.memory_space<vmem>>, vector<16xf32>,
      tpu.vector_store %arg10[%swap3A_527, %swap3A_528], %masked_cumsum3A_524 {strides = array<i32>} : memref<640x16xf32, #tpu.memory_space<vmem>>, vector<16xf32>,
      %add3A_530 = arith.constant 3 : i32
      %add3A_531 = arith.addi %mul3A_426, %add3A_530 : i32
      %get3A_532 = arith.index_cast %add3A_531 : i32 to index
      %get3A_533 = arith.constant 0 : index
      %get3A_534 = tpu.vector_load %arg9[%get3A_532, %get3A_533] {strides = array<i32>} : memref<640x64xf32, #tpu.memory_space<vmem>>, vector<16xf32>,
      %mul3A_535 = arith.mulf %get3A_415, %get3A_534 : vector<16xf32>
      %add3A_536 = arith.constant 3 : i32
      %add3A_537 = arith.addi %mul3A_426, %add3A_536 : i32
      %get3A_538 = arith.index_cast %add3A_537 : i32 to index
      %get3A_539 = arith.constant 16 : index
      %get3A_540 = tpu.vector_load %arg9[%get3A_538, %get3A_539] {strides = array<i32>} : memref<640x64xf32, #tpu.memory_space<vmem>>, vector<16xf32>,
      %mul3A_541 = arith.mulf %get3A_418, %get3A_540 : vector<16xf32>
      %add3A_542 = arith.addf %mul3A_535, %mul3A_541 : vector<16xf32>
      %add3A_543 = arith.constant 3 : i32
      %add3A_544 = arith.addi %mul3A_426, %add3A_543 : i32
      %get3A_545 = arith.index_cast %add3A_544 : i32 to index
      %get3A_546 = arith.constant 32 : index
      %get3A_547 = tpu.vector_load %arg9[%get3A_545, %get3A_546] {strides = array<i32>} : memref<640x64xf32, #tpu.memory_space<vmem>>, vector<16xf32>,
      %mul3A_548 = arith.mulf %get3A_421, %get3A_547 : vector<16xf32>
      %add3A_549 = arith.addf %add3A_542, %mul3A_548 : vector<16xf32>
      %add3A_550 = arith.constant 3 : i32
      %add3A_551 = arith.addi %mul3A_426, %add3A_550 : i32
      %get3A_552 = arith.index_cast %add3A_551 : i32 to index
      %get3A_553 = arith.constant 48 : index
      %get3A_554 = tpu.vector_load %arg9[%get3A_552, %get3A_553] {strides = array<i32>} : memref<640x64xf32, #tpu.memory_space<vmem>>, vector<16xf32>,
      %mul3A_555 = arith.mulf %get3A_424, %get3A_554 : vector<16xf32>
      %add3A_556 = arith.addf %add3A_549, %mul3A_555 : vector<16xf32>
      %broadcast_in_dim3A_557 = arith.constant true
      %broadcast_in_dim3A_558 = vector.broadcast %broadcast_in_dim3A_557 : i1 to vector<16xi1>
      %masked_cumsum3A_559 = tpu.scan <sum>, %add3A_556 masked %broadcast_in_dim3A_558 : vector<16xf32>, vector<16xi1> -> vector<16xf32>
      %add3A_560 = arith.constant 3 : i32
      %add3A_561 = arith.addi %mul3A_426, %add3A_560 : i32
      %swap3A_562 = arith.index_cast %add3A_561 : i32 to index
      %swap3A_563 = arith.constant 0 : index
      %swap3A_564 = tpu.vector_load %arg10[%swap3A_562, %swap3A_563] {strides = array<i32>} : memref<640x16xf32, #tpu.memory_space<vmem>>, vector<16xf32>,
      tpu.vector_store %arg10[%swap3A_562, %swap3A_563], %masked_cumsum3A_559 {strides = array<i32>} : memref<640x16xf32, #tpu.memory_space<vmem>>, vector<16xf32>,
      %add3A_565 = arith.constant 4 : i32
      %add3A_566 = arith.addi %mul3A_426, %add3A_565 : i32
      %get3A_567 = arith.index_cast %add3A_566 : i32 to index
      %get3A_568 = arith.constant 0 : index
      %get3A_569 = tpu.vector_load %arg9[%get3A_567, %get3A_568] {strides = array<i32>} : memref<640x64xf32, #tpu.memory_space<vmem>>, vector<16xf32>,
      %mul3A_570 = arith.mulf %get3A_415, %get3A_569 : vector<16xf32>
      %add3A_571 = arith.constant 4 : i32
      %add3A_572 = arith.addi %mul3A_426, %add3A_571 : i32
      %get3A_573 = arith.index_cast %add3A_572 : i32 to index
      %get3A_574 = arith.constant 16 : index
      %get3A_575 = tpu.vector_load %arg9[%get3A_573, %get3A_574] {strides = array<i32>} : memref<640x64xf32, #tpu.memory_space<vmem>>, vector<16xf32>,
      %mul3A_576 = arith.mulf %get3A_418, %get3A_575 : vector<16xf32>
      %add3A_577 = arith.addf %mul3A_570, %mul3A_576 : vector<16xf32>
      %add3A_578 = arith.constant 4 : i32
      %add3A_579 = arith.addi %mul3A_426, %add3A_578 : i32
      %get3A_580 = arith.index_cast %add3A_579 : i32 to index
      %get3A_581 = arith.constant 32 : index
      %get3A_582 = tpu.vector_load %arg9[%get3A_580, %get3A_581] {strides = array<i32>} : memref<640x64xf32, #tpu.memory_space<vmem>>, vector<16xf32>,
      %mul3A_583 = arith.mulf %get3A_421, %get3A_582 : vector<16xf32>
      %add3A_584 = arith.addf %add3A_577, %mul3A_583 : vector<16xf32>
      %add3A_585 = arith.constant 4 : i32
      %add3A_586 = arith.addi %mul3A_426, %add3A_585 : i32
      %get3A_587 = arith.index_cast %add3A_586 : i32 to index
      %get3A_588 = arith.constant 48 : index
      %get3A_589 = tpu.vector_load %arg9[%get3A_587, %get3A_588] {strides = array<i32>} : memref<640x64xf32, #tpu.memory_space<vmem>>, vector<16xf32>,
      %mul3A_590 = arith.mulf %get3A_424, %get3A_589 : vector<16xf32>
      %add3A_591 = arith.addf %add3A_584, %mul3A_590 : vector<16xf32>
      %broadcast_in_dim3A_592 = arith.constant true
      %broadcast_in_dim3A_593 = vector.broadcast %broadcast_in_dim3A_592 : i1 to vector<16xi1>
      %masked_cumsum3A_594 = tpu.scan <sum>, %add3A_591 masked %broadcast_in_dim3A_593 : vector<16xf32>, vector<16xi1> -> vector<16xf32>
      %add3A_595 = arith.constant 4 : i32
      %add3A_596 = arith.addi %mul3A_426, %add3A_595 : i32
      %swap3A_597 = arith.index_cast %add3A_596 : i32 to index
      %swap3A_598 = arith.constant 0 : index
      %swap3A_599 = tpu.vector_load %arg10[%swap3A_597, %swap3A_598] {strides = array<i32>} : memref<640x16xf32, #tpu.memory_space<vmem>>, vector<16xf32>,
      tpu.vector_store %arg10[%swap3A_597, %swap3A_598], %masked_cumsum3A_594 {strides = array<i32>} : memref<640x16xf32, #tpu.memory_space<vmem>>, vector<16xf32>,
    }
    %scan3A_302 = arith.constant 128 : i32
    %scan3A_303 = arith.constant 0 : i32
    %scan3A_304 = arith.constant 0 : i32
    %scan3A_305 = arith.constant 40 : i32
    %scan3A_306 = arith.addi %scan3A_304, %scan3A_305 : i32
    %scan3A_307 = arith.constant 1 : i32
    scf.for %scan3A_413 = %scan3A_304 to %scan3A_306 step %scan3A_307  : i32 {
      %mul3A_414 = arith.constant 16 : i32
      %mul3A_415 = arith.muli %scan3A_413, %mul3A_414 : i32
      %add3A_416 = vector.broadcast %mul3A_415 : i32 to vector<16xi32>
      %add3A_417 = arith.addi %add3A_416, %iota3A : vector<16xi32>
      %gather3A = tpu.vector_load_idx %arg10[%add3A_417, %broadcast_in_dim3A_5] : memref<640x16xf32, #tpu.memory_space<vmem>>[vector<16xi32>, vector<16xi32>], vector<16xf32>,
      %mul3A_418 = arith.constant 16 : i32
      %mul3A_419 = arith.muli %scan3A_413, %mul3A_418 : i32
      %add3A_420 = arith.constant 1280 : i32
      %add3A_421 = arith.addi %add3A_420, %mul3A_419 : i32
      %swap3A = arith.index_cast %add3A_421 : i32 to index
      %swap3A_422 = tpu.vector_load %arg11[%swap3A] {strides = array<i32>} : memref<2560xf32, #tpu.memory_space<vmem>>, vector<16xf32>,
      tpu.vector_store %arg11[%swap3A], %gather3A {strides = array<i32>} : memref<2560xf32, #tpu.memory_space<vmem>>, vector<16xf32>,
    }
    %scan3A_308 = arith.constant 40 : i32
    %dma_start3A_309 = arith.constant 384 : i32
    %dma_start3A_310 = tpu.memref_slice %arg6[%dma_start3A_309] : memref<512xi32, #tpu.memory_space<vmem>> -> memref<128xi32, #tpu.memory_space<vmem>>
    %dma_start3A_311 = arith.constant 0 : i32
    %dma_start3A_312 = arith.constant 0 : i32
    %dma_start3A_313 = tpu.memref_slice %arg4[%dma_start3A_311, %dma_start3A_312] : memref<2000000x64xf32, #tpu.memory_space<hbm>> -> memref<2000000x64xf32, #tpu.memory_space<hbm>>
    tpu.enqueue_indirect_dma source(%dma_start3A_313 : memref<2000000x64xf32, #tpu.memory_space<hbm>>) target(%arg8 : memref<128x64xf32, #tpu.memory_space<vmem>>) offsets(%dma_start3A_310 : memref<128xi32, #tpu.memory_space<vmem>>) semaphore(%arg12 : memref<!tpu.dma_semaphore, #tpu.memory_space<semaphore_mem>>)
    %dma_start3A_314 = arith.constant 0 : i32
    %dma_start3A_315 = arith.constant 0 : i32
    %dma_start3A_316 = tpu.memref_slice %arg9[%dma_start3A_314, %dma_start3A_315] : memref<640x64xf32, #tpu.memory_space<vmem>> -> memref<128x64xf32, #tpu.memory_space<vmem>>
    %dma_start3A_317 = arith.constant 1920 : i32
    %dma_start3A_318 = tpu.memref_slice %arg7[%dma_start3A_317] : memref<2560xi32, #tpu.memory_space<vmem>> -> memref<128xi32, #tpu.memory_space<vmem>>
    %dma_start3A_319 = arith.constant 0 : i32
    %dma_start3A_320 = arith.constant 0 : i32
    %dma_start3A_321 = tpu.memref_slice %arg4[%dma_start3A_319, %dma_start3A_320] : memref<2000000x64xf32, #tpu.memory_space<hbm>> -> memref<2000000x64xf32, #tpu.memory_space<hbm>>
    tpu.enqueue_indirect_dma source(%dma_start3A_321 : memref<2000000x64xf32, #tpu.memory_space<hbm>>) target(%dma_start3A_316 : memref<128x64xf32, #tpu.memory_space<vmem>>) offsets(%dma_start3A_318 : memref<128xi32, #tpu.memory_space<vmem>>) semaphore(%arg12 : memref<!tpu.dma_semaphore, #tpu.memory_space<semaphore_mem>>)
    %dma_start3A_322 = arith.constant 128 : i32
    %dma_start3A_323 = arith.constant 0 : i32
    %dma_start3A_324 = tpu.memref_slice %arg9[%dma_start3A_322, %dma_start3A_323] : memref<640x64xf32, #tpu.memory_space<vmem>> -> memref<128x64xf32, #tpu.memory_space<vmem>>
    %dma_start3A_325 = arith.constant 2048 : i32
    %dma_start3A_326 = tpu.memref_slice %arg7[%dma_start3A_325] : memref<2560xi32, #tpu.memory_space<vmem>> -> memref<128xi32, #tpu.memory_space<vmem>>
    %dma_start3A_327 = arith.constant 0 : i32
    %dma_start3A_328 = arith.constant 0 : i32
    %dma_start3A_329 = tpu.memref_slice %arg4[%dma_start3A_327, %dma_start3A_328] : memref<2000000x64xf32, #tpu.memory_space<hbm>> -> memref<2000000x64xf32, #tpu.memory_space<hbm>>
    tpu.enqueue_indirect_dma source(%dma_start3A_329 : memref<2000000x64xf32, #tpu.memory_space<hbm>>) target(%dma_start3A_324 : memref<128x64xf32, #tpu.memory_space<vmem>>) offsets(%dma_start3A_326 : memref<128xi32, #tpu.memory_space<vmem>>) semaphore(%arg12 : memref<!tpu.dma_semaphore, #tpu.memory_space<semaphore_mem>>)
    %dma_start3A_330 = arith.constant 256 : i32
    %dma_start3A_331 = arith.constant 0 : i32
    %dma_start3A_332 = tpu.memref_slice %arg9[%dma_start3A_330, %dma_start3A_331] : memref<640x64xf32, #tpu.memory_space<vmem>> -> memref<128x64xf32, #tpu.memory_space<vmem>>
    %dma_start3A_333 = arith.constant 2176 : i32
    %dma_start3A_334 = tpu.memref_slice %arg7[%dma_start3A_333] : memref<2560xi32, #tpu.memory_space<vmem>> -> memref<128xi32, #tpu.memory_space<vmem>>
    %dma_start3A_335 = arith.constant 0 : i32
    %dma_start3A_336 = arith.constant 0 : i32
    %dma_start3A_337 = tpu.memref_slice %arg4[%dma_start3A_335, %dma_start3A_336] : memref<2000000x64xf32, #tpu.memory_space<hbm>> -> memref<2000000x64xf32, #tpu.memory_space<hbm>>
    tpu.enqueue_indirect_dma source(%dma_start3A_337 : memref<2000000x64xf32, #tpu.memory_space<hbm>>) target(%dma_start3A_332 : memref<128x64xf32, #tpu.memory_space<vmem>>) offsets(%dma_start3A_334 : memref<128xi32, #tpu.memory_space<vmem>>) semaphore(%arg12 : memref<!tpu.dma_semaphore, #tpu.memory_space<semaphore_mem>>)
    %dma_start3A_338 = arith.constant 384 : i32
    %dma_start3A_339 = arith.constant 0 : i32
    %dma_start3A_340 = tpu.memref_slice %arg9[%dma_start3A_338, %dma_start3A_339] : memref<640x64xf32, #tpu.memory_space<vmem>> -> memref<128x64xf32, #tpu.memory_space<vmem>>
    %dma_start3A_341 = arith.constant 2304 : i32
    %dma_start3A_342 = tpu.memref_slice %arg7[%dma_start3A_341] : memref<2560xi32, #tpu.memory_space<vmem>> -> memref<128xi32, #tpu.memory_space<vmem>>
    %dma_start3A_343 = arith.constant 0 : i32
    %dma_start3A_344 = arith.constant 0 : i32
    %dma_start3A_345 = tpu.memref_slice %arg4[%dma_start3A_343, %dma_start3A_344] : memref<2000000x64xf32, #tpu.memory_space<hbm>> -> memref<2000000x64xf32, #tpu.memory_space<hbm>>
    tpu.enqueue_indirect_dma source(%dma_start3A_345 : memref<2000000x64xf32, #tpu.memory_space<hbm>>) target(%dma_start3A_340 : memref<128x64xf32, #tpu.memory_space<vmem>>) offsets(%dma_start3A_342 : memref<128xi32, #tpu.memory_space<vmem>>) semaphore(%arg12 : memref<!tpu.dma_semaphore, #tpu.memory_space<semaphore_mem>>)
    %dma_start3A_346 = arith.constant 512 : i32
    %dma_start3A_347 = arith.constant 0 : i32
    %dma_start3A_348 = tpu.memref_slice %arg9[%dma_start3A_346, %dma_start3A_347] : memref<640x64xf32, #tpu.memory_space<vmem>> -> memref<128x64xf32, #tpu.memory_space<vmem>>
    %dma_start3A_349 = arith.constant 2432 : i32
    %dma_start3A_350 = tpu.memref_slice %arg7[%dma_start3A_349] : memref<2560xi32, #tpu.memory_space<vmem>> -> memref<128xi32, #tpu.memory_space<vmem>>
    %dma_start3A_351 = arith.constant 0 : i32
    %dma_start3A_352 = arith.constant 0 : i32
    %dma_start3A_353 = tpu.memref_slice %arg4[%dma_start3A_351, %dma_start3A_352] : memref<2000000x64xf32, #tpu.memory_space<hbm>> -> memref<2000000x64xf32, #tpu.memory_space<hbm>>
    tpu.enqueue_indirect_dma source(%dma_start3A_353 : memref<2000000x64xf32, #tpu.memory_space<hbm>>) target(%dma_start3A_348 : memref<128x64xf32, #tpu.memory_space<vmem>>) offsets(%dma_start3A_350 : memref<128xi32, #tpu.memory_space<vmem>>) semaphore(%arg12 : memref<!tpu.dma_semaphore, #tpu.memory_space<semaphore_mem>>)
    %dma_wait3A_354 = arith.constant 384 : i32
    %dma_wait3A_355 = tpu.memref_slice %arg6[%dma_wait3A_354] : memref<512xi32, #tpu.memory_space<vmem>> -> memref<128xi32, #tpu.memory_space<vmem>>
    %dma_wait3A_356 = arith.constant 0 : i32
    %dma_wait3A_357 = arith.constant 0 : i32
    %dma_wait3A_358 = tpu.memref_slice %arg4[%dma_wait3A_356, %dma_wait3A_357] : memref<2000000x64xf32, #tpu.memory_space<hbm>> -> memref<2000000x64xf32, #tpu.memory_space<hbm>>
    tpu.wait_indirect_dma semaphore(%arg12 : memref<!tpu.dma_semaphore, #tpu.memory_space<semaphore_mem>>) src(%dma_wait3A_358 : memref<2000000x64xf32, #tpu.memory_space<hbm>>) dst(%arg8 : memref<128x64xf32, #tpu.memory_space<vmem>>)
    %dma_wait3A_359 = arith.constant 0 : i32
    %dma_wait3A_360 = arith.constant 0 : i32
    %dma_wait3A_361 = tpu.memref_slice %arg9[%dma_wait3A_359, %dma_wait3A_360] : memref<640x64xf32, #tpu.memory_space<vmem>> -> memref<128x64xf32, #tpu.memory_space<vmem>>
    %dma_wait3A_362 = arith.constant 1920 : i32
    %dma_wait3A_363 = tpu.memref_slice %arg7[%dma_wait3A_362] : memref<2560xi32, #tpu.memory_space<vmem>> -> memref<128xi32, #tpu.memory_space<vmem>>
    %dma_wait3A_364 = arith.constant 0 : i32
    %dma_wait3A_365 = arith.constant 0 : i32
    %dma_wait3A_366 = tpu.memref_slice %arg4[%dma_wait3A_364, %dma_wait3A_365] : memref<2000000x64xf32, #tpu.memory_space<hbm>> -> memref<2000000x64xf32, #tpu.memory_space<hbm>>
    tpu.wait_indirect_dma semaphore(%arg12 : memref<!tpu.dma_semaphore, #tpu.memory_space<semaphore_mem>>) src(%dma_wait3A_366 : memref<2000000x64xf32, #tpu.memory_space<hbm>>) dst(%dma_wait3A_361 : memref<128x64xf32, #tpu.memory_space<vmem>>)
    %dma_wait3A_367 = arith.constant 128 : i32
    %dma_wait3A_368 = arith.constant 0 : i32
    %dma_wait3A_369 = tpu.memref_slice %arg9[%dma_wait3A_367, %dma_wait3A_368] : memref<640x64xf32, #tpu.memory_space<vmem>> -> memref<128x64xf32, #tpu.memory_space<vmem>>
    %dma_wait3A_370 = arith.constant 2048 : i32
    %dma_wait3A_371 = tpu.memref_slice %arg7[%dma_wait3A_370] : memref<2560xi32, #tpu.memory_space<vmem>> -> memref<128xi32, #tpu.memory_space<vmem>>
    %dma_wait3A_372 = arith.constant 0 : i32
    %dma_wait3A_373 = arith.constant 0 : i32
    %dma_wait3A_374 = tpu.memref_slice %arg4[%dma_wait3A_372, %dma_wait3A_373] : memref<2000000x64xf32, #tpu.memory_space<hbm>> -> memref<2000000x64xf32, #tpu.memory_space<hbm>>
    tpu.wait_indirect_dma semaphore(%arg12 : memref<!tpu.dma_semaphore, #tpu.memory_space<semaphore_mem>>) src(%dma_wait3A_374 : memref<2000000x64xf32, #tpu.memory_space<hbm>>) dst(%dma_wait3A_369 : memref<128x64xf32, #tpu.memory_space<vmem>>)
    %dma_wait3A_375 = arith.constant 256 : i32
    %dma_wait3A_376 = arith.constant 0 : i32
    %dma_wait3A_377 = tpu.memref_slice %arg9[%dma_wait3A_375, %dma_wait3A_376] : memref<640x64xf32, #tpu.memory_space<vmem>> -> memref<128x64xf32, #tpu.memory_space<vmem>>
    %dma_wait3A_378 = arith.constant 2176 : i32
    %dma_wait3A_379 = tpu.memref_slice %arg7[%dma_wait3A_378] : memref<2560xi32, #tpu.memory_space<vmem>> -> memref<128xi32, #tpu.memory_space<vmem>>
    %dma_wait3A_380 = arith.constant 0 : i32
    %dma_wait3A_381 = arith.constant 0 : i32
    %dma_wait3A_382 = tpu.memref_slice %arg4[%dma_wait3A_380, %dma_wait3A_381] : memref<2000000x64xf32, #tpu.memory_space<hbm>> -> memref<2000000x64xf32, #tpu.memory_space<hbm>>
    tpu.wait_indirect_dma semaphore(%arg12 : memref<!tpu.dma_semaphore, #tpu.memory_space<semaphore_mem>>) src(%dma_wait3A_382 : memref<2000000x64xf32, #tpu.memory_space<hbm>>) dst(%dma_wait3A_377 : memref<128x64xf32, #tpu.memory_space<vmem>>)
    %dma_wait3A_383 = arith.constant 384 : i32
    %dma_wait3A_384 = arith.constant 0 : i32
    %dma_wait3A_385 = tpu.memref_slice %arg9[%dma_wait3A_383, %dma_wait3A_384] : memref<640x64xf32, #tpu.memory_space<vmem>> -> memref<128x64xf32, #tpu.memory_space<vmem>>
    %dma_wait3A_386 = arith.constant 2304 : i32
    %dma_wait3A_387 = tpu.memref_slice %arg7[%dma_wait3A_386] : memref<2560xi32, #tpu.memory_space<vmem>> -> memref<128xi32, #tpu.memory_space<vmem>>
    %dma_wait3A_388 = arith.constant 0 : i32
    %dma_wait3A_389 = arith.constant 0 : i32
    %dma_wait3A_390 = tpu.memref_slice %arg4[%dma_wait3A_388, %dma_wait3A_389] : memref<2000000x64xf32, #tpu.memory_space<hbm>> -> memref<2000000x64xf32, #tpu.memory_space<hbm>>
    tpu.wait_indirect_dma semaphore(%arg12 : memref<!tpu.dma_semaphore, #tpu.memory_space<semaphore_mem>>) src(%dma_wait3A_390 : memref<2000000x64xf32, #tpu.memory_space<hbm>>) dst(%dma_wait3A_385 : memref<128x64xf32, #tpu.memory_space<vmem>>)
    %dma_wait3A_391 = arith.constant 512 : i32
    %dma_wait3A_392 = arith.constant 0 : i32
    %dma_wait3A_393 = tpu.memref_slice %arg9[%dma_wait3A_391, %dma_wait3A_392] : memref<640x64xf32, #tpu.memory_space<vmem>> -> memref<128x64xf32, #tpu.memory_space<vmem>>
    %dma_wait3A_394 = arith.constant 2432 : i32
    %dma_wait3A_395 = tpu.memref_slice %arg7[%dma_wait3A_394] : memref<2560xi32, #tpu.memory_space<vmem>> -> memref<128xi32, #tpu.memory_space<vmem>>
    %dma_wait3A_396 = arith.constant 0 : i32
    %dma_wait3A_397 = arith.constant 0 : i32
    %dma_wait3A_398 = tpu.memref_slice %arg4[%dma_wait3A_396, %dma_wait3A_397] : memref<2000000x64xf32, #tpu.memory_space<hbm>> -> memref<2000000x64xf32, #tpu.memory_space<hbm>>
    tpu.wait_indirect_dma semaphore(%arg12 : memref<!tpu.dma_semaphore, #tpu.memory_space<semaphore_mem>>) src(%dma_wait3A_398 : memref<2000000x64xf32, #tpu.memory_space<hbm>>) dst(%dma_wait3A_393 : memref<128x64xf32, #tpu.memory_space<vmem>>)
    %scan3A_399 = arith.constant 0 : i32
    %scan3A_400 = arith.constant 0 : i32
    %scan3A_401 = arith.constant 128 : i32
    %scan3A_402 = arith.addi %scan3A_400, %scan3A_401 : i32
    %scan3A_403 = arith.constant 1 : i32
    scf.for %scan3A_413 = %scan3A_400 to %scan3A_402 step %scan3A_403  : i32 {
      %get3A = arith.index_cast %scan3A_413 : i32 to index
      %get3A_414 = arith.constant 0 : index
      %get3A_415 = tpu.vector_load %arg8[%get3A, %get3A_414] {strides = array<i32>} : memref<128x64xf32, #tpu.memory_space<vmem>>, vector<16xf32>,
      %get3A_416 = arith.index_cast %scan3A_413 : i32 to index
      %get3A_417 = arith.constant 16 : index
      %get3A_418 = tpu.vector_load %arg8[%get3A_416, %get3A_417] {strides = array<i32>} : memref<128x64xf32, #tpu.memory_space<vmem>>, vector<16xf32>,
      %get3A_419 = arith.index_cast %scan3A_413 : i32 to index
      %get3A_420 = arith.constant 32 : index
      %get3A_421 = tpu.vector_load %arg8[%get3A_419, %get3A_420] {strides = array<i32>} : memref<128x64xf32, #tpu.memory_space<vmem>>, vector<16xf32>,
      %get3A_422 = arith.index_cast %scan3A_413 : i32 to index
      %get3A_423 = arith.constant 48 : index
      %get3A_424 = tpu.vector_load %arg8[%get3A_422, %get3A_423] {strides = array<i32>} : memref<128x64xf32, #tpu.memory_space<vmem>>, vector<16xf32>,
      %mul3A_425 = arith.constant 5 : i32
      %mul3A_426 = arith.muli %scan3A_413, %mul3A_425 : i32
      %add3A_427 = arith.constant 0 : i32
      %add3A_428 = arith.addi %mul3A_426, %add3A_427 : i32
      %get3A_429 = arith.index_cast %add3A_428 : i32 to index
      %get3A_430 = arith.constant 0 : index
      %get3A_431 = tpu.vector_load %arg9[%get3A_429, %get3A_430] {strides = array<i32>} : memref<640x64xf32, #tpu.memory_space<vmem>>, vector<16xf32>,
      %mul3A_432 = arith.mulf %get3A_415, %get3A_431 : vector<16xf32>
      %add3A_433 = arith.constant 0 : i32
      %add3A_434 = arith.addi %mul3A_426, %add3A_433 : i32
      %get3A_435 = arith.index_cast %add3A_434 : i32 to index
      %get3A_436 = arith.constant 16 : index
      %get3A_437 = tpu.vector_load %arg9[%get3A_435, %get3A_436] {strides = array<i32>} : memref<640x64xf32, #tpu.memory_space<vmem>>, vector<16xf32>,
      %mul3A_438 = arith.mulf %get3A_418, %get3A_437 : vector<16xf32>
      %add3A_439 = arith.addf %mul3A_432, %mul3A_438 : vector<16xf32>
      %add3A_440 = arith.constant 0 : i32
      %add3A_441 = arith.addi %mul3A_426, %add3A_440 : i32
      %get3A_442 = arith.index_cast %add3A_441 : i32 to index
      %get3A_443 = arith.constant 32 : index
      %get3A_444 = tpu.vector_load %arg9[%get3A_442, %get3A_443] {strides = array<i32>} : memref<640x64xf32, #tpu.memory_space<vmem>>, vector<16xf32>,
      %mul3A_445 = arith.mulf %get3A_421, %get3A_444 : vector<16xf32>
      %add3A_446 = arith.addf %add3A_439, %mul3A_445 : vector<16xf32>
      %add3A_447 = arith.constant 0 : i32
      %add3A_448 = arith.addi %mul3A_426, %add3A_447 : i32
      %get3A_449 = arith.index_cast %add3A_448 : i32 to index
      %get3A_450 = arith.constant 48 : index
      %get3A_451 = tpu.vector_load %arg9[%get3A_449, %get3A_450] {strides = array<i32>} : memref<640x64xf32, #tpu.memory_space<vmem>>, vector<16xf32>,
      %mul3A_452 = arith.mulf %get3A_424, %get3A_451 : vector<16xf32>
      %add3A_453 = arith.addf %add3A_446, %mul3A_452 : vector<16xf32>
      %broadcast_in_dim3A_454 = arith.constant true
      %broadcast_in_dim3A_455 = vector.broadcast %broadcast_in_dim3A_454 : i1 to vector<16xi1>
      %masked_cumsum3A = tpu.scan <sum>, %add3A_453 masked %broadcast_in_dim3A_455 : vector<16xf32>, vector<16xi1> -> vector<16xf32>
      %add3A_456 = arith.constant 0 : i32
      %add3A_457 = arith.addi %mul3A_426, %add3A_456 : i32
      %swap3A = arith.index_cast %add3A_457 : i32 to index
      %swap3A_458 = arith.constant 0 : index
      %swap3A_459 = tpu.vector_load %arg10[%swap3A, %swap3A_458] {strides = array<i32>} : memref<640x16xf32, #tpu.memory_space<vmem>>, vector<16xf32>,
      tpu.vector_store %arg10[%swap3A, %swap3A_458], %masked_cumsum3A {strides = array<i32>} : memref<640x16xf32, #tpu.memory_space<vmem>>, vector<16xf32>,
      %add3A_460 = arith.constant 1 : i32
      %add3A_461 = arith.addi %mul3A_426, %add3A_460 : i32
      %get3A_462 = arith.index_cast %add3A_461 : i32 to index
      %get3A_463 = arith.constant 0 : index
      %get3A_464 = tpu.vector_load %arg9[%get3A_462, %get3A_463] {strides = array<i32>} : memref<640x64xf32, #tpu.memory_space<vmem>>, vector<16xf32>,
      %mul3A_465 = arith.mulf %get3A_415, %get3A_464 : vector<16xf32>
      %add3A_466 = arith.constant 1 : i32
      %add3A_467 = arith.addi %mul3A_426, %add3A_466 : i32
      %get3A_468 = arith.index_cast %add3A_467 : i32 to index
      %get3A_469 = arith.constant 16 : index
      %get3A_470 = tpu.vector_load %arg9[%get3A_468, %get3A_469] {strides = array<i32>} : memref<640x64xf32, #tpu.memory_space<vmem>>, vector<16xf32>,
      %mul3A_471 = arith.mulf %get3A_418, %get3A_470 : vector<16xf32>
      %add3A_472 = arith.addf %mul3A_465, %mul3A_471 : vector<16xf32>
      %add3A_473 = arith.constant 1 : i32
      %add3A_474 = arith.addi %mul3A_426, %add3A_473 : i32
      %get3A_475 = arith.index_cast %add3A_474 : i32 to index
      %get3A_476 = arith.constant 32 : index
      %get3A_477 = tpu.vector_load %arg9[%get3A_475, %get3A_476] {strides = array<i32>} : memref<640x64xf32, #tpu.memory_space<vmem>>, vector<16xf32>,
      %mul3A_478 = arith.mulf %get3A_421, %get3A_477 : vector<16xf32>
      %add3A_479 = arith.addf %add3A_472, %mul3A_478 : vector<16xf32>
      %add3A_480 = arith.constant 1 : i32
      %add3A_481 = arith.addi %mul3A_426, %add3A_480 : i32
      %get3A_482 = arith.index_cast %add3A_481 : i32 to index
      %get3A_483 = arith.constant 48 : index
      %get3A_484 = tpu.vector_load %arg9[%get3A_482, %get3A_483] {strides = array<i32>} : memref<640x64xf32, #tpu.memory_space<vmem>>, vector<16xf32>,
      %mul3A_485 = arith.mulf %get3A_424, %get3A_484 : vector<16xf32>
      %add3A_486 = arith.addf %add3A_479, %mul3A_485 : vector<16xf32>
      %broadcast_in_dim3A_487 = arith.constant true
      %broadcast_in_dim3A_488 = vector.broadcast %broadcast_in_dim3A_487 : i1 to vector<16xi1>
      %masked_cumsum3A_489 = tpu.scan <sum>, %add3A_486 masked %broadcast_in_dim3A_488 : vector<16xf32>, vector<16xi1> -> vector<16xf32>
      %add3A_490 = arith.constant 1 : i32
      %add3A_491 = arith.addi %mul3A_426, %add3A_490 : i32
      %swap3A_492 = arith.index_cast %add3A_491 : i32 to index
      %swap3A_493 = arith.constant 0 : index
      %swap3A_494 = tpu.vector_load %arg10[%swap3A_492, %swap3A_493] {strides = array<i32>} : memref<640x16xf32, #tpu.memory_space<vmem>>, vector<16xf32>,
      tpu.vector_store %arg10[%swap3A_492, %swap3A_493], %masked_cumsum3A_489 {strides = array<i32>} : memref<640x16xf32, #tpu.memory_space<vmem>>, vector<16xf32>,
      %add3A_495 = arith.constant 2 : i32
      %add3A_496 = arith.addi %mul3A_426, %add3A_495 : i32
      %get3A_497 = arith.index_cast %add3A_496 : i32 to index
      %get3A_498 = arith.constant 0 : index
      %get3A_499 = tpu.vector_load %arg9[%get3A_497, %get3A_498] {strides = array<i32>} : memref<640x64xf32, #tpu.memory_space<vmem>>, vector<16xf32>,
      %mul3A_500 = arith.mulf %get3A_415, %get3A_499 : vector<16xf32>
      %add3A_501 = arith.constant 2 : i32
      %add3A_502 = arith.addi %mul3A_426, %add3A_501 : i32
      %get3A_503 = arith.index_cast %add3A_502 : i32 to index
      %get3A_504 = arith.constant 16 : index
      %get3A_505 = tpu.vector_load %arg9[%get3A_503, %get3A_504] {strides = array<i32>} : memref<640x64xf32, #tpu.memory_space<vmem>>, vector<16xf32>,
      %mul3A_506 = arith.mulf %get3A_418, %get3A_505 : vector<16xf32>
      %add3A_507 = arith.addf %mul3A_500, %mul3A_506 : vector<16xf32>
      %add3A_508 = arith.constant 2 : i32
      %add3A_509 = arith.addi %mul3A_426, %add3A_508 : i32
      %get3A_510 = arith.index_cast %add3A_509 : i32 to index
      %get3A_511 = arith.constant 32 : index
      %get3A_512 = tpu.vector_load %arg9[%get3A_510, %get3A_511] {strides = array<i32>} : memref<640x64xf32, #tpu.memory_space<vmem>>, vector<16xf32>,
      %mul3A_513 = arith.mulf %get3A_421, %get3A_512 : vector<16xf32>
      %add3A_514 = arith.addf %add3A_507, %mul3A_513 : vector<16xf32>
      %add3A_515 = arith.constant 2 : i32
      %add3A_516 = arith.addi %mul3A_426, %add3A_515 : i32
      %get3A_517 = arith.index_cast %add3A_516 : i32 to index
      %get3A_518 = arith.constant 48 : index
      %get3A_519 = tpu.vector_load %arg9[%get3A_517, %get3A_518] {strides = array<i32>} : memref<640x64xf32, #tpu.memory_space<vmem>>, vector<16xf32>,
      %mul3A_520 = arith.mulf %get3A_424, %get3A_519 : vector<16xf32>
      %add3A_521 = arith.addf %add3A_514, %mul3A_520 : vector<16xf32>
      %broadcast_in_dim3A_522 = arith.constant true
      %broadcast_in_dim3A_523 = vector.broadcast %broadcast_in_dim3A_522 : i1 to vector<16xi1>
      %masked_cumsum3A_524 = tpu.scan <sum>, %add3A_521 masked %broadcast_in_dim3A_523 : vector<16xf32>, vector<16xi1> -> vector<16xf32>
      %add3A_525 = arith.constant 2 : i32
      %add3A_526 = arith.addi %mul3A_426, %add3A_525 : i32
      %swap3A_527 = arith.index_cast %add3A_526 : i32 to index
      %swap3A_528 = arith.constant 0 : index
      %swap3A_529 = tpu.vector_load %arg10[%swap3A_527, %swap3A_528] {strides = array<i32>} : memref<640x16xf32, #tpu.memory_space<vmem>>, vector<16xf32>,
      tpu.vector_store %arg10[%swap3A_527, %swap3A_528], %masked_cumsum3A_524 {strides = array<i32>} : memref<640x16xf32, #tpu.memory_space<vmem>>, vector<16xf32>,
      %add3A_530 = arith.constant 3 : i32
      %add3A_531 = arith.addi %mul3A_426, %add3A_530 : i32
      %get3A_532 = arith.index_cast %add3A_531 : i32 to index
      %get3A_533 = arith.constant 0 : index
      %get3A_534 = tpu.vector_load %arg9[%get3A_532, %get3A_533] {strides = array<i32>} : memref<640x64xf32, #tpu.memory_space<vmem>>, vector<16xf32>,
      %mul3A_535 = arith.mulf %get3A_415, %get3A_534 : vector<16xf32>
      %add3A_536 = arith.constant 3 : i32
      %add3A_537 = arith.addi %mul3A_426, %add3A_536 : i32
      %get3A_538 = arith.index_cast %add3A_537 : i32 to index
      %get3A_539 = arith.constant 16 : index
      %get3A_540 = tpu.vector_load %arg9[%get3A_538, %get3A_539] {strides = array<i32>} : memref<640x64xf32, #tpu.memory_space<vmem>>, vector<16xf32>,
      %mul3A_541 = arith.mulf %get3A_418, %get3A_540 : vector<16xf32>
      %add3A_542 = arith.addf %mul3A_535, %mul3A_541 : vector<16xf32>
      %add3A_543 = arith.constant 3 : i32
      %add3A_544 = arith.addi %mul3A_426, %add3A_543 : i32
      %get3A_545 = arith.index_cast %add3A_544 : i32 to index
      %get3A_546 = arith.constant 32 : index
      %get3A_547 = tpu.vector_load %arg9[%get3A_545, %get3A_546] {strides = array<i32>} : memref<640x64xf32, #tpu.memory_space<vmem>>, vector<16xf32>,
      %mul3A_548 = arith.mulf %get3A_421, %get3A_547 : vector<16xf32>
      %add3A_549 = arith.addf %add3A_542, %mul3A_548 : vector<16xf32>
      %add3A_550 = arith.constant 3 : i32
      %add3A_551 = arith.addi %mul3A_426, %add3A_550 : i32
      %get3A_552 = arith.index_cast %add3A_551 : i32 to index
      %get3A_553 = arith.constant 48 : index
      %get3A_554 = tpu.vector_load %arg9[%get3A_552, %get3A_553] {strides = array<i32>} : memref<640x64xf32, #tpu.memory_space<vmem>>, vector<16xf32>,
      %mul3A_555 = arith.mulf %get3A_424, %get3A_554 : vector<16xf32>
      %add3A_556 = arith.addf %add3A_549, %mul3A_555 : vector<16xf32>
      %broadcast_in_dim3A_557 = arith.constant true
      %broadcast_in_dim3A_558 = vector.broadcast %broadcast_in_dim3A_557 : i1 to vector<16xi1>
      %masked_cumsum3A_559 = tpu.scan <sum>, %add3A_556 masked %broadcast_in_dim3A_558 : vector<16xf32>, vector<16xi1> -> vector<16xf32>
      %add3A_560 = arith.constant 3 : i32
      %add3A_561 = arith.addi %mul3A_426, %add3A_560 : i32
      %swap3A_562 = arith.index_cast %add3A_561 : i32 to index
      %swap3A_563 = arith.constant 0 : index
      %swap3A_564 = tpu.vector_load %arg10[%swap3A_562, %swap3A_563] {strides = array<i32>} : memref<640x16xf32, #tpu.memory_space<vmem>>, vector<16xf32>,
      tpu.vector_store %arg10[%swap3A_562, %swap3A_563], %masked_cumsum3A_559 {strides = array<i32>} : memref<640x16xf32, #tpu.memory_space<vmem>>, vector<16xf32>,
      %add3A_565 = arith.constant 4 : i32
      %add3A_566 = arith.addi %mul3A_426, %add3A_565 : i32
      %get3A_567 = arith.index_cast %add3A_566 : i32 to index
      %get3A_568 = arith.constant 0 : index
      %get3A_569 = tpu.vector_load %arg9[%get3A_567, %get3A_568] {strides = array<i32>} : memref<640x64xf32, #tpu.memory_space<vmem>>, vector<16xf32>,
      %mul3A_570 = arith.mulf %get3A_415, %get3A_569 : vector<16xf32>
      %add3A_571 = arith.constant 4 : i32
      %add3A_572 = arith.addi %mul3A_426, %add3A_571 : i32
      %get3A_573 = arith.index_cast %add3A_572 : i32 to index
      %get3A_574 = arith.constant 16 : index
      %get3A_575 = tpu.vector_load %arg9[%get3A_573, %get3A_574] {strides = array<i32>} : memref<640x64xf32, #tpu.memory_space<vmem>>, vector<16xf32>,
      %mul3A_576 = arith.mulf %get3A_418, %get3A_575 : vector<16xf32>
      %add3A_577 = arith.addf %mul3A_570, %mul3A_576 : vector<16xf32>
      %add3A_578 = arith.constant 4 : i32
      %add3A_579 = arith.addi %mul3A_426, %add3A_578 : i32
      %get3A_580 = arith.index_cast %add3A_579 : i32 to index
      %get3A_581 = arith.constant 32 : index
      %get3A_582 = tpu.vector_load %arg9[%get3A_580, %get3A_581] {strides = array<i32>} : memref<640x64xf32, #tpu.memory_space<vmem>>, vector<16xf32>,
      %mul3A_583 = arith.mulf %get3A_421, %get3A_582 : vector<16xf32>
      %add3A_584 = arith.addf %add3A_577, %mul3A_583 : vector<16xf32>
      %add3A_585 = arith.constant 4 : i32
      %add3A_586 = arith.addi %mul3A_426, %add3A_585 : i32
      %get3A_587 = arith.index_cast %add3A_586 : i32 to index
      %get3A_588 = arith.constant 48 : index
      %get3A_589 = tpu.vector_load %arg9[%get3A_587, %get3A_588] {strides = array<i32>} : memref<640x64xf32, #tpu.memory_space<vmem>>, vector<16xf32>,
      %mul3A_590 = arith.mulf %get3A_424, %get3A_589 : vector<16xf32>
      %add3A_591 = arith.addf %add3A_584, %mul3A_590 : vector<16xf32>
      %broadcast_in_dim3A_592 = arith.constant true
      %broadcast_in_dim3A_593 = vector.broadcast %broadcast_in_dim3A_592 : i1 to vector<16xi1>
      %masked_cumsum3A_594 = tpu.scan <sum>, %add3A_591 masked %broadcast_in_dim3A_593 : vector<16xf32>, vector<16xi1> -> vector<16xf32>
      %add3A_595 = arith.constant 4 : i32
      %add3A_596 = arith.addi %mul3A_426, %add3A_595 : i32
      %swap3A_597 = arith.index_cast %add3A_596 : i32 to index
      %swap3A_598 = arith.constant 0 : index
      %swap3A_599 = tpu.vector_load %arg10[%swap3A_597, %swap3A_598] {strides = array<i32>} : memref<640x16xf32, #tpu.memory_space<vmem>>, vector<16xf32>,
      tpu.vector_store %arg10[%swap3A_597, %swap3A_598], %masked_cumsum3A_594 {strides = array<i32>} : memref<640x16xf32, #tpu.memory_space<vmem>>, vector<16xf32>,
    }
    %scan3A_404 = arith.constant 128 : i32
    %scan3A_405 = arith.constant 0 : i32
    %scan3A_406 = arith.constant 0 : i32
    %scan3A_407 = arith.constant 40 : i32
    %scan3A_408 = arith.addi %scan3A_406, %scan3A_407 : i32
    %scan3A_409 = arith.constant 1 : i32
    scf.for %scan3A_413 = %scan3A_406 to %scan3A_408 step %scan3A_409  : i32 {
      %mul3A_414 = arith.constant 16 : i32
      %mul3A_415 = arith.muli %scan3A_413, %mul3A_414 : i32
      %add3A_416 = vector.broadcast %mul3A_415 : i32 to vector<16xi32>
      %add3A_417 = arith.addi %add3A_416, %iota3A : vector<16xi32>
      %gather3A = tpu.vector_load_idx %arg10[%add3A_417, %broadcast_in_dim3A_5] : memref<640x16xf32, #tpu.memory_space<vmem>>[vector<16xi32>, vector<16xi32>], vector<16xf32>,
      %mul3A_418 = arith.constant 16 : i32
      %mul3A_419 = arith.muli %scan3A_413, %mul3A_418 : i32
      %add3A_420 = arith.constant 1920 : i32
      %add3A_421 = arith.addi %add3A_420, %mul3A_419 : i32
      %swap3A = arith.index_cast %add3A_421 : i32 to index
      %swap3A_422 = tpu.vector_load %arg11[%swap3A] {strides = array<i32>} : memref<2560xf32, #tpu.memory_space<vmem>>, vector<16xf32>,
      tpu.vector_store %arg11[%swap3A], %gather3A {strides = array<i32>} : memref<2560xf32, #tpu.memory_space<vmem>>, vector<16xf32>,
    }
    %scan3A_410 = arith.constant 40 : i32
    %mul3A_411 = arith.constant 5 : i32
    %mul3A_412 = arith.muli %mul3A_2, %mul3A_411 : i32
    "tpu.region"() ({
      %run_scoped3A = tpu.sem_alloc : memref<!tpu.dma_semaphore, #tpu.memory_space<semaphore_mem>>
      %dma_start3A_413 = tpu.memref_slice %arg5[%mul3A_412] : memref<81920xf32, #tpu.memory_space<hbm>> -> memref<2560xf32, #tpu.memory_space<hbm>>
      %dma_start3A_414 = tpu.memref_slice %arg5[%mul3A_412] : memref<81920xf32, #tpu.memory_space<hbm>> -> memref<2560xf32, #tpu.memory_space<hbm>>
      tpu.enqueue_dma source(%arg11 : memref<2560xf32, #tpu.memory_space<vmem>>) target(%dma_start3A_414 : memref<2560xf32, #tpu.memory_space<hbm>>) target_semaphore(%run_scoped3A : memref<!tpu.dma_semaphore, #tpu.memory_space<semaphore_mem>>)
      %dma_wait3A_415 = tpu.memref_slice %arg5[%mul3A_412] : memref<81920xf32, #tpu.memory_space<hbm>> -> memref<2560xf32, #tpu.memory_space<hbm>>
      %dma_wait3A_416 = tpu.memref_slice %arg5[%mul3A_412] : memref<81920xf32, #tpu.memory_space<hbm>> -> memref<2560xf32, #tpu.memory_space<hbm>>
      tpu.wait_dma2 semaphore(%run_scoped3A : memref<!tpu.dma_semaphore, #tpu.memory_space<semaphore_mem>>) src(%arg11 : memref<2560xf32, #tpu.memory_space<vmem>>) dst(%dma_wait3A_416 : memref<2560xf32, #tpu.memory_space<hbm>>)
      tpu.yield
    }) : () -> ()
    return
  }
}

</mosaic_0001>

<sc_bundles>
// kernel: kernel.3.cloned.1.call-start
scs
__scs_entry_jumppad:
0x0: {  	(pc) =	sbr.rel $0x88, $3  }
0x1: {  	(tag) =	ssettag $0x0;
	lr =	simm.s32 $0x1  }
0x2: {  	[smem:$0x3F9D] =	sst lr;
	_ =	strace $0xD0000000  }
0x3: {  	_ = 	snop  }
0x4: {  	_ = 	snop  }
0x5: {  	_ = 	snop  }
0x6: {  	_ = 	snop  }
0x7: {  	_ = 	snop  }
__scs_overlays_trampoline_lowered:
0x8: {  	[smem:$0x3FAC] =	sst s0  }
0x9: {  	[smem:$0x3FAD] =	sst s1  }
0xa: {  	[smem:$0x3FAE] =	sst s2  }
0xb: {  	[smem:$0x3FAF] =	sst s3  }
0xc: {  	[smem:$0x3FB0] =	sst s4  }
0xd: {  	[smem:$0x3FB1] =	sst s5  }
0xe: {  	[smem:$0x3FB2] =	sst s6  }
0xf: {  	[smem:$0x3FB3] =	sst s7  }
0x10: {  	[smem:$0x3FB4] =	sst s8  }
0x11: {  	[smem:$0x3FB5] =	sst s9;
	s0 =	simm.s32 @!p0 $0x0  }
0x12: {  	s1 =	sld [smem:$0x3F9B];
	s0 =	simm.s32 @p0 $0x1  }
0x13: {  	[smem:$0x3FB6] =	sst s0;
	s0 =	simm.s32 @!p1 $0x0  }
0x14: {  	s2 =	sld [smem:$0x3F9A];
	s0 =	simm.s32 @p1 $0x1  }
0x15: {  	[smem:$0x3FB7] =	sst s0;
	s0 =	simm.s32 @!p2 $0x0  }
0x16: {  	s3 =	sld [smem:$0x3FDB];
	s0 =	simm.s32 @p2 $0x1  }
0x17: {  	s4 =	simm.s32 $0x1BF5;
	[smem:$0x3FB9] =	sst s0  }
0x18: {  	s0 =	sld [smem:$0x3F9C];
	_ =	swait.ge [sflag:s4], $0x0  }
0x19: {  	s7 =	sld [smem:$0x3F9D]  }
0x1a: {  	s8 =	sadd.s32 $0xFFFFE003, lr  }
0x1b: {  	s9 =	sadd.s32 $0xFFFFFEF7, lr;
	s5 =	simm.s32 $0xFFFFFFFF;
	p2 =	slt.u32 s8, $0xFFFFF086  }
0x1c: {  	p1 =	slt.u32 s9, $0xF7A;
	s5 =	simm.s32 @!p2 $0x0  }
0x1d: {  	s5 =	simm.s32 @p1 $0x1;
	p0 =	seq.s32 s7, s2  }
0x1e: {  	s7 =	smul.u32 @!p0 $0xF7A, s2;
	p2 =	seq.s32 @!p0 s5, $0x0  }
0x1f: {  	s9 =	smul.u32 $0xF7A, s1;
	s8 =	simm.s32 @!p0 $0x1BF5;
	p2 =	por !p2, p0  }
0x20: {  	[sflag:s8] =	ssyncset.s32 @!p0 $0xFFFFF086;
	s6 =	sadd.s32 @!p0 s3, s7;
	s7 =	simm.s32 @!p0 $0x108  }
0x21: {  	s3 =	sadd.s32 s3, s9;
	s6 =	sadd.s32 @!p0 $0x88, s6;
	s7 =	simm.s32 @p2 $0x1082  }
0x22: {  	[simem:s7], [sflag:s8] =	dma.local @!p0 [hbm:s6], $0xF7A  }
0x23: {  	s9 =	sor.u32 $0xD0000000, s2;
	s6 =	simm.s32 $0x108;
	_ =	swait.ge @!p0 [sflag:s8], $0x0  }
0x24: {  	s3 =	sadd.s32 $0x88, s3;
	s6 =	simm.s32 @!p1 $0x1082;
	[sflag:s4] =	ssyncset.s32 $0xFFFFF086  }
0x25: {  	[simem:s6], [sflag:s4] =	dma.local [hbm:s3], $0xF7A  }
0x26: {  	[smem:$0x3F9D] =	sst s1;
	(tag) =	ssettag s2;
	_ =	strace s9  }
0x27: {  	s1 =	sld [smem:$0x3FAD]  }
0x28: {  	s2 =	sld [smem:$0x3FAE]  }
0x29: {  	s4 =	sld [smem:$0x3FB0]  }
0x2a: {  	p0 =	seq.s32 s5, $0x0;
	s5 =	sld [smem:$0x3FB1]  }
0x2b: {  	s6 =	sld [smem:$0x3FB2]  }
0x2c: {  	s7 =	sld [smem:$0x3FB3]  }
0x2d: {  	s3 =	simm.s32 $0x108;
	s8 =	sld [smem:$0x3FB4]  }
0x2e: {  	s3 =	simm.s32 @!p0 $0x1082;
	s9 =	sld [smem:$0x3FB5]  }
0x2f: {  	lr =	sadd.s32 s0, s3;
	s0 =	sld [smem:$0x3FAC]  }
0x30: {  	s3 =	sld [smem:$0x3FAF]  }
0x31: {  	[smem:$0x3FB8] =	sst s10  }
0x32: {  	s10 =	sld [smem:$0x3FB6];
	_ =	sdelay $0x3  }
0x33: {  	p0 =	seq.s32 s10, $0x1;
	s10 =	sld [smem:$0x3FB8];
	_ =	sdelay $0x3  }
0x34: {  	[smem:$0x3FB8] =	sst s10  }
0x35: {  	s10 =	sld [smem:$0x3FB7];
	_ =	sdelay $0x3  }
0x36: {  	p1 =	seq.s32 s10, $0x1;
	s10 =	sld [smem:$0x3FB8];
	_ =	sdelay $0x3  }
0x37: {  	[smem:$0x3FB8] =	sst s10  }
0x38: {  	s10 =	sld [smem:$0x3FB9]  }
0x39: {  	_ = 	snop;
	(pc) =	sbr.ind lr, $3  }
0x3a: {  	_ = 	snop  }
0x3b: {  	_ = 	snop  }
0x3c: {  	p2 =	seq.s32 s10, $0x1;
	s10 =	sld [smem:$0x3FB8]  }
0x3d: {  	_ =	shalt  }
0x3e: {  	_ =	shalt  }
0x3f: {  	_ =	shalt  }
0x40: {  	_ =	shalt  }
0x41: {  	_ =	shalt  }
0x42: {  	_ =	shalt  }
0x43: {  	_ =	shalt  }
0x44: {  	_ =	shalt  }
0x45: {  	_ =	shalt  }
0x46: {  	_ =	shalt  }
0x47: {  	_ =	shalt  }
0x48: {  	_ =	shalt  }
0x49: {  	_ =	shalt  }
0x4a: {  	_ =	shalt  }
0x4b: {  	_ =	shalt  }
0x4c: {  	_ =	shalt  }
0x4d: {  	_ =	shalt  }
0x4e: {  	_ =	shalt  }
0x4f: {  	_ =	shalt  }
0x50: {  	_ =	shalt  }
0x51: {  	_ =	shalt  }
0x52: {  	_ =	shalt  }
0x53: {  	_ =	shalt  }
0x54: {  	_ =	shalt  }
0x55: {  	_ =	shalt  }
0x56: {  	_ =	shalt  }
0x57: {  	_ =	shalt  }
0x58: {  	_ =	shalt  }
0x59: {  	_ =	shalt  }
0x5a: {  	_ =	shalt  }
0x5b: {  	_ =	shalt  }
0x5c: {  	_ =	shalt  }
0x5d: {  	_ =	shalt  }
0x5e: {  	_ =	shalt  }
0x5f: {  	_ =	shalt  }
0x60: {  	_ =	shalt  }
0x61: {  	_ =	shalt  }
0x62: {  	_ =	shalt  }
0x63: {  	_ =	shalt  }
0x64: {  	_ =	shalt  }
0x65: {  	_ =	shalt  }
0x66: {  	_ =	shalt  }
0x67: {  	_ =	shalt  }
0x68: {  	_ =	shalt  }
0x69: {  	_ =	shalt  }
0x6a: {  	_ =	shalt  }
0x6b: {  	_ =	shalt  }
0x6c: {  	_ =	shalt  }
0x6d: {  	_ =	shalt  }
0x6e: {  	_ =	shalt  }
0x6f: {  	_ =	shalt  }
0x70: {  	_ =	shalt  }
0x71: {  	_ =	shalt  }
0x72: {  	_ =	shalt  }
0x73: {  	_ =	shalt  }
0x74: {  	_ =	shalt  }
0x75: {  	_ =	shalt  }
0x76: {  	_ =	shalt  }
0x77: {  	_ =	shalt  }
0x78: {  	_ =	shalt  }
0x79: {  	_ =	shalt  }
0x7a: {  	_ =	shalt  }
0x7b: {  	_ =	shalt  }
0x7c: {  	_ =	shalt  }
0x7d: {  	_ =	shalt  }
0x7e: {  	_ =	shalt  }
0x7f: {  	_ =	shalt  }
0x80: {  	_ =	shalt  }
0x81: {  	_ =	shalt  }
0x82: {  	_ =	shalt  }
0x83: {  	_ =	shalt  }
0x84: {  	_ =	shalt  }
0x85: {  	_ =	shalt  }
0x86: {  	_ =	shalt  }
0x87: {  	_ =	shalt  }
.Lfunc_end0:
.L_simem_size_0:
called_computation_lowered:
.L_overlay_start_0:
0x88: {  	s2 =	sld [smem:$0x3FD9]  }
0x89: {  	s3 =	sld [smem:$0x3FFE];
	_ =	sdelay $0x1  }
0x8a: {  	s1 =	srdreg.scid  }
0x8b: {  	s0 =	sand.u32 $0x1, s1  }
0x8c: {  	s17 =	sshll.u32 s0, $0xA;
	s2 =	sadd.s32 s3, s2  }
0x8d: {  	s2 =	sadd.s32 s2, s17  }
0x8e: {  	[smem:$0x3FC4] =	sst s2  }
0x8f: {  	_ = 	snop  }
0x90: {  	s2 =	sld [smem:$0x3FC9]  }
0x91: {  	s18 =	sld [smem:$0x3FD0];
	(tm) =	ssettm $0x1  }
0x92: {  	s4 =	sld [smem:$0x3FFB];
	_ =	sdelay $0x3  }
0x93: {  	_ =	strace s4  }
0x94: {  	s4 =	sld [smem:$0x3FFC];
	_ =	sdelay $0x3  }
0x95: {  	_ =	strace s4  }
0x96: {  	s4 =	sld [smem:$0x3FFD];
	_ =	sdelay $0x3  }
0x97: {  	_ =	strace s4  }
0x98: {  	_ =	strace $0x8FFFFFFF  }
0x99: {  	s19 =	sld [smem:$0x3FDB];
	_ =	sdelay $0x1  }
0x9a: {  	s5 =	simm.s32 $_scs_section_size  }
0x9b: {  	s6 =	simm.s32 $_size__tile_overlayer_lowered;
	s7 =	simm.s32 $_tile_overlayer_lowered  }
0x9c: {  	s22 =	simm.s32 $0x1BFF;
	s21 =	sshll.u32 s7, $0x1;
	s4 =	sadd.s32 s5, s19  }
0x9d: {  	s8 =	simm.s32 $0x0;
	s20 =	sshll.u32 s6, $0x1;
	s6 =	sadd.s32 s21, s4  }
0x9e: {  	[timem:s8], [sflag:s22] =	dma.local [hbm:s6], s20  }
0x9f: {  	_ =	swait.ge [sflag:s22], s20  }
0xa0: {  	s5 =	ssub.s32 $0x0, s20;
	[sflag:s22] =	ssyncset.done $0x0  }
0xa1: {  	[sflag:s22] =	ssyncadd.s32 s5;
	_ =	sdelay $0x1  }
0xa2: {  	s23 =	simm.s32 $0x1B8B  }
0xa3: {  	_ =	swait.ge [sflag:s23], $0x1  }
0xa4: {  	[sflag:s23] =	ssyncset.done $0x0  }
0xa5: {  	s25 =	simm.s32 $0x1B8E;
	s24 =	sld [smem:$0x3FFE];
	[sflag:s23] =	ssyncadd.s32 $0xFFFFFFFF  }
0xa6: {  	s26 =	simm.s32 $execute0_lowered;
	[smem:$0x3FD2] =	sst s25  }
0xa7: {  	s6 =	sshll.u32 s26, $0x1;
	_ =	strace $0x80000046;
	[dreg:$0x1] =	wrdreg $0xFFFFFFFF  }
0xa8: {  	s28 =	simm.s32 $_size_execute0_lowered;
	s4 =	sadd.s32 s4, s6;
	[dreg:$0x0] =	wrdreg $0x0  }
0xa9: {  	s6 =	sshll.u32 s28, $0x1;
	[dreg:$0x2] =	wrdreg s4  }
0xaa: {  	[dreg:$0x3] =	wrdreg s6  }
0xab: {  	[dreg:$0x4] =	wrdreg $0xC0  }
0xac: {  	_ =	task [dreg:s8], $0x5FFFF  }
0xad: {  	[dreg:$0x1] =	wrdreg $0xFFFFFFFF  }
0xae: {  	[dreg:$0x0] =	wrdreg $0x60  }
0xaf: {  	[dreg:$0x2] =	wrdreg s2  }
0xb0: {  	[dreg:$0x3] =	wrdreg s18  }
0xb1: {  	[dreg:$0x4] =	wrdreg s24  }
0xb2: {  	[dreg:$0x5] =	wrdreg $0x9  }
0xb3: {  	_ =	task.clear_ibuf [dreg:s8], $0x6FFFF;
	_ =	strace $0x90000046  }
0xb4: {  	s29 =	simm.s32 $0x9;
	_ =	strace $0x80000048  }
0xb5: {  	_ =	swait.ge [sflag:s29], $0x1  }
0xb6: {  	[sflag:s29] =	ssyncadd.s32 $0xFFFFFFFF  }
0xb7: {  	_ =	strace $0x90000048  }
0xb8: {  	_ =	sfence  }
0xb9: {  	s30 =	sld [smem:$0x0];
	_ =	sdelay $0x2  }
0xba: {  	s31 =	sshll.u32 s1, $0xD;
	s1 =	sshrl.u32 s1, $0x2  }
0xbb: {  	s3 =	sand.u32 $0x4000, s31;
	s1 =	sadd.s32 s1, s30  }
0xbc: {  	s0 =	sor.u32 s3, s0;
	s1 =	sshll.u32 s1, $0x11  }
0xbd: {  	s0 =	sor.u32 s1, s0  }
0xbe: {  	s0 =	sadd.s32 $0x8F2B, s0  }
0xbf: {  	[sflag:s0] =	ssyncadd.remote.s32 $0x1  }
0xc0: {  	_ =	sfence.sel $0xFFFF  }
0xc1: {  	[dreg:$0x0] =	wrdreg $0xFFFFFFFF;
	(pc) =	sbr.abs _section_cstart, $3  }
0xc2: {  	[dreg:$0x1] =	wrdreg $0xFFFFFFFF  }
0xc3: {  	_ =	task.clear_ibuf [dreg:s8], $0x2FFFF;
	_ =	strace $0x9FFFFFFF  }
0xc4: {  	(tm) =	ssettm $0x7FFFFFFF  }
0xc5: {  	_ =	shalt  }
tec
execute0_lowered:
.L_overlay_start_1:
0x0: {  	(tag) =	ssettag $0x1  }
0x1: {  	s0 =	rddreg [dreg:$0x0]  }
0x2: {  	s1 =	rddreg [dreg:$0x1];
	s2 =	srdreg.scid  }
0x3: {  	s3 =	stileid.u32;
	s4 =	rddreg [dreg:$0x2]  }
0x4: {  	s10 =	simm.s32 $0x80;
	s11 =	simm.s32 $0xC00;
	s12 =	simm.s32 $0x2C00  }
0x5: {  	s14 =	simm.s32 $0x4C00;
	s16 =	simm.s32 $0x6C00;
	s18 =	simm.s32 $0x8C00  }
0x6: {  	s20 =	simm.s32 $0xAC00;
	s21 =	simm.s32 $0x1;
	s22 =	simm.s32 $0xCC00  }
0x7: {  	s15 =	simm.s32 $0x180;
	s17 =	simm.s32 $0x980;
	s19 =	simm.s32 $0xA00  }
0x8: {  	s23 =	simm.s32 $0xA80;
	s24 =	simm.s32 $0xB00;
	s25 =	simm.s32 $0xB80  }
0x9: {  	s26 =	simm.s32 $0xF400;
	s5 =	sand.u32 $0x1, s2;
	s3 =	sshll.u32 s3, $0x1  }
0xa: {  	s28 =	simm.s32 $0x0;
	s2 =	simm.s32 $0x0;
	s6 =	sor.u32 s5, s3  }
0xb: {  	[smem:$0x7FF] =	sst s2;
	s5 =	ssub.s32 $0x2, s5;
	s7 =	smul.u32 $0x140, s6  }
0xc: {  	s3 =	sadd.s32 $0x600, s4;
	_ =	strace $0x80000047;
	s31 =	sshrl.u32 s5, $0x1  }
0xd: {  	s6 =	sshll.u32 s6, $0x6;
	s9 =	ssub.s32 s5, s31;
	s8 =	sadd.s32 s7, s4  }
0xe: {  	v0 =	vlaneseq.u32;
	s4 =	sadd.s32 s0, s6;
	s5 =	sadd.s32 s1, s7;
	s7 =	smax.u32 s9, $0x1  }
0xf: {  	v0 =	vmul.u32 $0x10, v0;
	s9 =	simm.s32 $0x200;
	s6 =	sadd.s32 $0xF42A00, s8;
	s8 =	simm.s32 $0x2  }
.LBB2_1:
0x10: {  	[tilespmem:s2], [sflag:$0x2] =	stream.linear.gather [hbm4b:s4+s2], $0x200, $0x38;
	[tilespmem:$0xFE00] =	vst v63  }
0x11: {  	_ =	swait.ge [sflag:s8], $0x200  }
0x12: {  	[sflag:s8] =	ssyncset.done $0x0  }
0x13: {  	[sflag:s8] =	ssyncadd.s32 $0xFFFFFE00  }
0x14: {  	[tilespmem:s9], [sflag:$0x2] =	stream.linear.gather [hbm4b:s5+s2], $0xA00, $0x38;
	[tilespmem:$0xFE00] =	vst v63  }
0x15: {  	_ =	swait.ge [sflag:s8], $0xA00  }
0x16: {  	[sflag:s8] =	ssyncset.done $0x0  }
0x17: {  	[sflag:s8] =	ssyncadd.s32 $0xFFFFF600  }
0x18: {  	[tilespmem:s11], [sflag:$0x1] =	stream.indirect.gather [hbm4b:s3+s10], $0x40, s2, s10, $0xb8;
	[tilespmem:$0xFE00] =	vst v63  }
0x19: {  	_ = 	snop  }
0x1a: {  	[tilespmem:s12], [sflag:$0x1] =	stream.indirect.gather [hbm4b:s3+s10], $0x40, s9, s10, $0xb8;
	[tilespmem:$0xFE00] =	vst v63  }
0x1b: {  	s0 =	simm.s32 $0x280  }
0x1c: {  	[tilespmem:s14], [sflag:$0x1] =	stream.indirect.gather [hbm4b:s3+s10], $0x40, s0, s10, $0xb8;
	[tilespmem:$0xFE00] =	vst v63  }
0x1d: {  	s1 =	simm.s32 $0x300  }
0x1e: {  	[tilespmem:s16], [sflag:$0x1] =	stream.indirect.gather [hbm4b:s3+s10], $0x40, s1, s10, $0xb8;
	[tilespmem:$0xFE00] =	vst v63  }
0x1f: {  	s13 =	simm.s32 $0x380  }
0x20: {  	[tilespmem:s18], [sflag:$0x1] =	stream.indirect.gather [hbm4b:s3+s10], $0x40, s13, s10, $0xb8;
	[tilespmem:$0xFE00] =	vst v63  }
0x21: {  	s1 =	simm.s32 $0x400  }
0x22: {  	[tilespmem:s20], [sflag:$0x1] =	stream.indirect.gather [hbm4b:s3+s10], $0x40, s1, s10, $0xb8;
	[tilespmem:$0xFE00] =	vst v63  }
0x23: {  	_ =	swait.ge [sflag:s21], $0x2000  }
0x24: {  	[sflag:s21] =	ssyncset.done $0x0  }
0x25: {  	[sflag:s21] =	ssyncadd.s32 $0xFFFFE000  }
0x26: {  	_ =	swait.ge [sflag:s21], $0x2000  }
0x27: {  	[sflag:s21] =	ssyncset.done $0x0  }
0x28: {  	[sflag:s21] =	ssyncadd.s32 $0xFFFFE000  }
0x29: {  	_ =	swait.ge [sflag:s21], $0x2000  }
0x2a: {  	[sflag:s21] =	ssyncset.done $0x0  }
0x2b: {  	[sflag:s21] =	ssyncadd.s32 $0xFFFFE000  }
0x2c: {  	_ =	swait.ge [sflag:s21], $0x2000  }
0x2d: {  	[sflag:s21] =	ssyncset.done $0x0  }
0x2e: {  	[sflag:s21] =	ssyncadd.s32 $0xFFFFE000  }
0x2f: {  	_ =	swait.ge [sflag:s21], $0x2000  }
0x30: {  	[sflag:s21] =	ssyncset.done $0x0  }
0x31: {  	[sflag:s21] =	ssyncadd.s32 $0xFFFFE000  }
0x32: {  	_ =	swait.ge [sflag:s21], $0x2000  }
0x33: {  	[sflag:s21] =	ssyncset.done $0x0  }
0x34: {  	s29 =	simm.s32 $0x2CA0;
	[sflag:s21] =	ssyncadd.s32 $0xFFFFE000  }
0x35: {  	v1 =	vld [tilespmem:s29+$0xFFFFFF60]  }
0x36: {  	s13 =	simm.s32 $0x0;
	v2 =	vld [tilespmem:s29+$0xFFFFFF70]  }
0x37: {  	v3 =	vld [tilespmem:s13+$0xC00]  }
0x38: {  	v4 =	vld [tilespmem:s13+$0xC10]  }
0x39: {  	v5 =	vld [tilespmem:s13+$0xC20]  }
0x3a: {  	v6 =	vld [tilespmem:s29+$0xFFFFFF80]  }
0x3b: {  	v7 =	vld [tilespmem:s29+$0xFFFFFF90]  }
0x3c: {  	v8 =	vld [tilespmem:s13+$0xC30]  }
0x3d: {  	v1 =	vmul.f32 v1, v3;
	v2 =	vmul.f32 v2, v4;
	_ =	sdelay $0x1  }
0x3e: {  	v1 =	vadd.f32 v2, v1;
	v2 =	vmul.f32 v6, v5;
	_ =	sdelay $0x1  }
0x3f: {  	v1 =	vadd.f32 v2, v1;
	v2 =	vmul.f32 v7, v8;
	_ =	sdelay $0x1  }
0x40: {  	v1 =	vadd.f32 v2, v1;
	_ =	sdelay $0x1  }
0x41: {  	(xrf2) =	vadd.scan.msk.f32 $0xffff, v1;
	_ =	sdelay $0x9  }
0x42: {  	s30 =	simm.s32 $0xCC20;
	v1, _, _ =	vpop (xrf2)  }
0x43: {  	[tilespmem:s30+$0xFFFFFFE0] =	vst v1  }
0x44: {  	v1 =	vld [tilespmem:s29+$0xFFFFFFA0]  }
0x45: {  	v2 =	vld [tilespmem:s29+$0xFFFFFFB0];
	_ =	sdelay $0x1  }
0x46: {  	v56 =	vld [tilespmem:s29+$0xFFFFFFC0];
	_ =	sdelay $0x1  }
0x47: {  	v57 =	vld [tilespmem:s29+$0xFFFFFFD0]  }
0x48: {  	v1 =	vmul.f32 v1, v3;
	v2 =	vmul.f32 v2, v4;
	_ =	sdelay $0x1  }
0x49: {  	v1 =	vadd.f32 v2, v1;
	v2 =	vmul.f32 v56, v5;
	_ =	sdelay $0x1  }
0x4a: {  	v1 =	vadd.f32 v2, v1;
	v2 =	vmul.f32 v57, v8;
	_ =	sdelay $0x1  }
0x4b: {  	v1 =	vadd.f32 v2, v1;
	_ =	sdelay $0x1  }
0x4c: {  	(xrf2) =	vadd.scan.msk.f32 $0xffff, v1;
	_ =	sdelay $0x9  }
0x4d: {  	v1, _, _ =	vpop (xrf2)  }
0x4e: {  	[tilespmem:s30+$0xFFFFFFF0] =	vst v1  }
0x4f: {  	v1 =	vld [tilespmem:s29+$0xFFFFFFE0]  }
0x50: {  	v2 =	vld [tilespmem:s29+$0xFFFFFFF0];
	_ =	sdelay $0x1  }
0x51: {  	v58 =	vld [tilespmem:s29+$0x0];
	_ =	sdelay $0x1  }
0x52: {  	v59 =	vld [tilespmem:s29+$0x10]  }
0x53: {  	v1 =	vmul.f32 v1, v3;
	v2 =	vmul.f32 v2, v4;
	_ =	sdelay $0x1  }
0x54: {  	v1 =	vadd.f32 v2, v1;
	v2 =	vmul.f32 v58, v5;
	_ =	sdelay $0x1  }
0x55: {  	v1 =	vadd.f32 v2, v1;
	v2 =	vmul.f32 v59, v8;
	_ =	sdelay $0x1  }
0x56: {  	v1 =	vadd.f32 v2, v1;
	_ =	sdelay $0x1  }
0x57: {  	(xrf2) =	vadd.scan.msk.f32 $0xffff, v1;
	_ =	sdelay $0x9  }
0x58: {  	v1, _, _ =	vpop (xrf2)  }
0x59: {  	[tilespmem:s30+$0x0] =	vst v1  }
0x5a: {  	v1 =	vld [tilespmem:s29+$0x20]  }
0x5b: {  	v2 =	vld [tilespmem:s29+$0x30];
	_ =	sdelay $0x1  }
0x5c: {  	v60 =	vld [tilespmem:s29+$0x40];
	_ =	sdelay $0x1  }
0x5d: {  	v61 =	vld [tilespmem:s29+$0x50]  }
0x5e: {  	v1 =	vmul.f32 v1, v3;
	v2 =	vmul.f32 v2, v4;
	_ =	sdelay $0x1  }
0x5f: {  	v1 =	vadd.f32 v2, v1;
	v2 =	vmul.f32 v60, v5;
	_ =	sdelay $0x1  }
0x60: {  	v1 =	vadd.f32 v2, v1;
	v2 =	vmul.f32 v61, v8;
	_ =	sdelay $0x1  }
0x61: {  	v1 =	vadd.f32 v2, v1;
	_ =	sdelay $0x1  }
0x62: {  	(xrf2) =	vadd.scan.msk.f32 $0xffff, v1;
	_ =	sdelay $0x9  }
0x63: {  	v1, _, _ =	vpop (xrf2)  }
0x64: {  	[tilespmem:s30+$0x10] =	vst v1  }
0x65: {  	v1 =	vld [tilespmem:s29+$0x60]  }
0x66: {  	v2 =	vld [tilespmem:s29+$0x70];
	_ =	sdelay $0x1  }
0x67: {  	v62 =	vld [tilespmem:s29+$0x80];
	_ =	sdelay $0x1  }
0x68: {  	v63 =	vld [tilespmem:s29+$0x90]  }
0x69: {  	v1 =	vmul.f32 v1, v3;
	v2 =	vmul.f32 v2, v4;
	_ =	sdelay $0x1  }
0x6a: {  	v1 =	vadd.f32 v2, v1;
	v2 =	vmul.f32 v62, v5;
	_ =	sdelay $0x1  }
0x6b: {  	v1 =	vadd.f32 v2, v1;
	v2 =	vmul.f32 v63, v8;
	_ =	sdelay $0x1  }
0x6c: {  	v1 =	vadd.f32 v2, v1;
	_ =	sdelay $0x1  }
0x6d: {  	s31 =	simm.s32 $0xCC20;
	s1 =	simm.s32 $0x100;
	(xrf2) =	vadd.scan.msk.f32 $0xffff, v1  }
.LBB2_2:
0x6e: {  	_ = 	snop  }
0x6f: {  	p0 =	sne.s32 s1, $0x7F00;
	s29 =	sadd.s32 $0x140, s29;
	s30 =	sadd.s32 $0x50, s30  }
0x70: {  	s0 =	smov.u32 s1;
	s1 =	sadd.s32 $0x100, s1;
	_ =	sdelay $0x5  }
0x71: {  	s0 =	sshra.s32 s0, $0x2  }
0x72: {  	v1, _, _ =	vpop (xrf2)  }
0x73: {  	[tilespmem:s31+$0x20] =	vst v1;
	s31 =	smov.u32 s30  }
0x74: {  	v5 =	vld [tilespmem:s29+$0xFFFFFF60]  }
0x75: {  	v6 =	vld [tilespmem:s29+$0xFFFFFF70]  }
0x76: {  	v2 =	vld [tilespmem:s0+$0xC00]  }
0x77: {  	v3 =	vld [tilespmem:s0+$0xC10]  }
0x78: {  	v1 =	vld [tilespmem:s0+$0xC20]  }
0x79: {  	v7 =	vld [tilespmem:s29+$0xFFFFFF80]  }
0x7a: {  	v8 =	vld [tilespmem:s29+$0xFFFFFF90]  }
0x7b: {  	v4 =	vld [tilespmem:s0+$0xC30];
	v5 =	vmul.f32 v5, v2  }
0x7c: {  	v6 =	vmul.f32 v6, v3;
	_ =	sdelay $0x1  }
0x7d: {  	v5 =	vadd.f32 v6, v5;
	v6 =	vmul.f32 v7, v1;
	_ =	sdelay $0x1  }
0x7e: {  	v5 =	vadd.f32 v6, v5;
	v6 =	vmul.f32 v8, v4;
	_ =	sdelay $0x1  }
0x7f: {  	v5 =	vadd.f32 v6, v5;
	_ =	sdelay $0x1  }
0x80: {  	(xrf2) =	vadd.scan.msk.f32 $0xffff, v5;
	_ =	sdelay $0x9  }
0x81: {  	v5, _, _ =	vpop (xrf2)  }
0x82: {  	[tilespmem:s30+$0xFFFFFFE0] =	vst v5  }
0x83: {  	v5 =	vld [tilespmem:s29+$0xFFFFFFA0]  }
0x84: {  	v6 =	vld [tilespmem:s29+$0xFFFFFFB0];
	_ =	sdelay $0x1  }
0x85: {  	v7 =	vld [tilespmem:s29+$0xFFFFFFC0];
	_ =	sdelay $0x1  }
0x86: {  	v5 =	vmul.f32 v5, v2;
	v8 =	vld [tilespmem:s29+$0xFFFFFFD0]  }
0x87: {  	v6 =	vmul.f32 v6, v3;
	_ =	sdelay $0x1  }
0x88: {  	v5 =	vadd.f32 v6, v5;
	v6 =	vmul.f32 v7, v1;
	_ =	sdelay $0x1  }
0x89: {  	v5 =	vadd.f32 v6, v5;
	v6 =	vmul.f32 v8, v4;
	_ =	sdelay $0x1  }
0x8a: {  	v5 =	vadd.f32 v6, v5;
	_ =	sdelay $0x1  }
0x8b: {  	(xrf2) =	vadd.scan.msk.f32 $0xffff, v5;
	_ =	sdelay $0x9  }
0x8c: {  	v5, _, _ =	vpop (xrf2)  }
0x8d: {  	[tilespmem:s30+$0xFFFFFFF0] =	vst v5  }
0x8e: {  	v5 =	vld [tilespmem:s29+$0xFFFFFFE0]  }
0x8f: {  	v6 =	vld [tilespmem:s29+$0xFFFFFFF0];
	_ =	sdelay $0x1  }
0x90: {  	v7 =	vld [tilespmem:s29+$0x0];
	_ =	sdelay $0x1  }
0x91: {  	v5 =	vmul.f32 v5, v2;
	v8 =	vld [tilespmem:s29+$0x10]  }
0x92: {  	v6 =	vmul.f32 v6, v3;
	_ =	sdelay $0x1  }
0x93: {  	v5 =	vadd.f32 v6, v5;
	v6 =	vmul.f32 v7, v1;
	_ =	sdelay $0x1  }
0x94: {  	v5 =	vadd.f32 v6, v5;
	v6 =	vmul.f32 v8, v4;
	_ =	sdelay $0x1  }
0x95: {  	v5 =	vadd.f32 v6, v5;
	_ =	sdelay $0x1  }
0x96: {  	(xrf2) =	vadd.scan.msk.f32 $0xffff, v5;
	_ =	sdelay $0x9  }
0x97: {  	v5, _, _ =	vpop (xrf2)  }
0x98: {  	[tilespmem:s30+$0x0] =	vst v5  }
0x99: {  	v5 =	vld [tilespmem:s29+$0x20]  }
0x9a: {  	v6 =	vld [tilespmem:s29+$0x30]  }
0x9b: {  	v7 =	vld [tilespmem:s29+$0x40]  }
0x9c: {  	v8 =	vld [tilespmem:s29+$0x50];
	_ =	sdelay $0x1  }
0x9d: {  	v5 =	vmul.f32 v5, v2  }
0x9e: {  	v6 =	vmul.f32 v6, v3;
	_ =	sdelay $0x1  }
0x9f: {  	v5 =	vadd.f32 v6, v5;
	v6 =	vmul.f32 v7, v1;
	_ =	sdelay $0x1  }
0xa0: {  	v5 =	vadd.f32 v6, v5;
	v6 =	vmul.f32 v8, v4;
	_ =	sdelay $0x1  }
0xa1: {  	v5 =	vadd.f32 v6, v5;
	_ =	sdelay $0x1  }
0xa2: {  	(xrf2) =	vadd.scan.msk.f32 $0xffff, v5;
	_ =	sdelay $0x9  }
0xa3: {  	v5, _, _ =	vpop (xrf2)  }
0xa4: {  	[tilespmem:s30+$0x10] =	vst v5  }
0xa5: {  	v5 =	vld [tilespmem:s29+$0x60]  }
0xa6: {  	v6 =	vld [tilespmem:s29+$0x70]  }
0xa7: {  	v7 =	vld [tilespmem:s29+$0x80]  }
0xa8: {  	v8 =	vld [tilespmem:s29+$0x90];
	_ =	sdelay $0x1  }
0xa9: {  	v2 =	vmul.f32 v5, v2  }
0xaa: {  	v3 =	vmul.f32 v6, v3;
	_ =	sdelay $0x1  }
0xab: {  	v1 =	vmul.f32 v7, v1;
	v2 =	vadd.f32 v3, v2;
	_ =	sdelay $0x1  }
.Ltmp0:
0xac: {  	v1 =	vadd.f32 v1, v2;
	v2 =	vmul.f32 v8, v4;
	(pc) =	sbr.rel @p0 .LBB2_2-.Ltmp0, $3  }
0xad: {  	_ = 	snop  }
0xae: {  	v1 =	vadd.f32 v2, v1;
	_ =	sdelay $0x1  }
0xaf: {  	(xrf2) =	vadd.scan.msk.f32 $0xffff, v1  }
0xb0: {  	_ =	sdelay $0x1  }
0xb1: {  	s0 =	simm.s32 $0x0  }
0xb2: {  	v1 =	vmov s0  }
0xb3: {  	v1 =	vshll.u32 v1, $0x4  }
0xb4: {  	v1 =	vor.u32 v0, v1  }
0xb5: {  	v1 =	vor.u32 $0xF, v1;
	_ =	sdelay $0x2  }
0xb6: {  	v2, _, _ =	vpop (xrf2)  }
0xb7: {  	[tilespmem:s31+$0x20] =	vst v2;
	s31 =	simm.s32 $0x10  }
0xb8: {  	v3 =	vld.idx.msk [tilespmem:v1+s22+$0x0], $0xffff;
	v1 =	vmov s31  }
0xb9: {  	v1 =	vshll.u32 v1, $0x4  }
0xba: {  	v1 =	vor.u32 v0, v1  }
0xbb: {  	v1 =	vor.u32 $0xF, v1;
	_ =	sdelay $0x2  }
0xbc: {  	s1 =	simm.s32 $0x20;
	s0 =	simm.s32 $0xF400  }
0xbd: {  	v2 =	vmov s1;
	s1 =	simm.s32 $0x30;
	[tilespmem:s0+$0x0] =	vst v3  }
.LBB2_4:
0xbe: {  	p0 =	sne.s32 s1, $0x270;
	v2 =	vshll.u32 v2, $0x4;
	v3 =	vld.idx.msk [tilespmem:v1+s22+$0x0], $0xffff  }
0xbf: {  	v1 =	vor.u32 v0, v2  }
.Ltmp1:
0xc0: {  	v1 =	vor.u32 $0xF, v1;
	(pc) =	sbr.rel @p0 .LBB2_4-.Ltmp1, $3  }
0xc1: {  	_ =	sdelay $0x1  }
0xc2: {  	s0 =	sadd.s32 $0x10, s0  }
0xc3: {  	v2 =	vmov s1;
	s1 =	sadd.s32 $0x10, s1;
	[tilespmem:s0+$0x0] =	vst v3  }
0xc4: {  	_ =	sdelay $0x2  }
0xc5: {  	v2 =	vshll.u32 v2, $0x4  }
0xc6: {  	v1 =	vld.idx.msk [tilespmem:v1+s22+$0x0], $0xffff;
	v2 =	vor.u32 v0, v2  }
0xc7: {  	v2 =	vor.u32 $0xF, v2;
	_ =	sdelay $0x2  }
0xc8: {  	s0 =	sadd.s32 $0x10, s0  }
0xc9: {  	[tilespmem:s0+$0x0] =	vst v1  }
0xca: {  	v1 =	vld.idx.msk [tilespmem:v2+s22+$0x0], $0xffff;
	_ =	sdelay $0x3  }
0xcb: {  	s0 =	sadd.s32 $0x10, s0  }
0xcc: {  	[tilespmem:s0+$0x0] =	vst v1  }
0xcd: {  	[tilespmem:s11], [sflag:$0x1] =	stream.indirect.gather [hbm4b:s3+s10], $0x40, s10, s10, $0xb8;
	[tilespmem:$0xFE00] =	vst v63  }
0xce: {  	s1 =	simm.s32 $0x480  }
0xcf: {  	[tilespmem:s12], [sflag:$0x1] =	stream.indirect.gather [hbm4b:s3+s10], $0x40, s1, s10, $0xb8;
	[tilespmem:$0xFE00] =	vst v63  }
0xd0: {  	s13 =	simm.s32 $0x500  }
0xd1: {  	[tilespmem:s14], [sflag:$0x1] =	stream.indirect.gather [hbm4b:s3+s10], $0x40, s13, s10, $0xb8;
	[tilespmem:$0xFE00] =	vst v63  }
0xd2: {  	s1 =	simm.s32 $0x580  }
0xd3: {  	[tilespmem:s16], [sflag:$0x1] =	stream.indirect.gather [hbm4b:s3+s10], $0x40, s1, s10, $0xb8;
	[tilespmem:$0xFE00] =	vst v63  }
0xd4: {  	s13 =	simm.s32 $0x600  }
0xd5: {  	[tilespmem:s18], [sflag:$0x1] =	stream.indirect.gather [hbm4b:s3+s10], $0x40, s13, s10, $0xb8;
	[tilespmem:$0xFE00] =	vst v63  }
0xd6: {  	s1 =	simm.s32 $0x680  }
0xd7: {  	[tilespmem:s20], [sflag:$0x1] =	stream.indirect.gather [hbm4b:s3+s10], $0x40, s1, s10, $0xb8;
	[tilespmem:$0xFE00] =	vst v63  }
0xd8: {  	_ =	swait.ge [sflag:s21], $0x2000  }
0xd9: {  	[sflag:s21] =	ssyncset.done $0x0  }
0xda: {  	[sflag:s21] =	ssyncadd.s32 $0xFFFFE000  }
0xdb: {  	_ =	swait.ge [sflag:s21], $0x2000  }
0xdc: {  	[sflag:s21] =	ssyncset.done $0x0  }
0xdd: {  	[sflag:s21] =	ssyncadd.s32 $0xFFFFE000  }
0xde: {  	_ =	swait.ge [sflag:s21], $0x2000  }
0xdf: {  	[sflag:s21] =	ssyncset.done $0x0  }
0xe0: {  	[sflag:s21] =	ssyncadd.s32 $0xFFFFE000  }
0xe1: {  	_ =	swait.ge [sflag:s21], $0x2000  }
0xe2: {  	[sflag:s21] =	ssyncset.done $0x0  }
0xe3: {  	[sflag:s21] =	ssyncadd.s32 $0xFFFFE000  }
0xe4: {  	_ =	swait.ge [sflag:s21], $0x2000  }
0xe5: {  	[sflag:s21] =	ssyncset.done $0x0  }
0xe6: {  	[sflag:s21] =	ssyncadd.s32 $0xFFFFE000  }
0xe7: {  	_ =	swait.ge [sflag:s21], $0x2000  }
0xe8: {  	[sflag:s21] =	ssyncset.done $0x0  }
0xe9: {  	s29 =	simm.s32 $0x2CA0;
	[sflag:s21] =	ssyncadd.s32 $0xFFFFE000  }
0xea: {  	v1 =	vld [tilespmem:s29+$0xFFFFFF60]  }
0xeb: {  	s13 =	simm.s32 $0x0;
	v2 =	vld [tilespmem:s29+$0xFFFFFF70]  }
0xec: {  	v3 =	vld [tilespmem:s13+$0xC00]  }
0xed: {  	v4 =	vld [tilespmem:s13+$0xC10]  }
0xee: {  	v5 =	vld [tilespmem:s13+$0xC20]  }
0xef: {  	v6 =	vld [tilespmem:s29+$0xFFFFFF80]  }
0xf0: {  	v7 =	vld [tilespmem:s29+$0xFFFFFF90]  }
0xf1: {  	v8 =	vld [tilespmem:s13+$0xC30]  }
0xf2: {  	v1 =	vmul.f32 v1, v3;
	v2 =	vmul.f32 v2, v4;
	_ =	sdelay $0x1  }
0xf3: {  	v1 =	vadd.f32 v2, v1;
	v2 =	vmul.f32 v6, v5;
	_ =	sdelay $0x1  }
0xf4: {  	v1 =	vadd.f32 v2, v1;
	v2 =	vmul.f32 v7, v8;
	_ =	sdelay $0x1  }
0xf5: {  	v1 =	vadd.f32 v2, v1;
	_ =	sdelay $0x1  }
0xf6: {  	(xrf2) =	vadd.scan.msk.f32 $0xffff, v1;
	_ =	sdelay $0x9  }
0xf7: {  	s30 =	simm.s32 $0xCC20;
	v1, _, _ =	vpop (xrf2)  }
0xf8: {  	[tilespmem:s30+$0xFFFFFFE0] =	vst v1  }
0xf9: {  	v1 =	vld [tilespmem:s29+$0xFFFFFFA0]  }
0xfa: {  	v2 =	vld [tilespmem:s29+$0xFFFFFFB0];
	_ =	sdelay $0x1  }
0xfb: {  	v56 =	vld [tilespmem:s29+$0xFFFFFFC0];
	_ =	sdelay $0x1  }
0xfc: {  	v57 =	vld [tilespmem:s29+$0xFFFFFFD0]  }
0xfd: {  	v1 =	vmul.f32 v1, v3;
	v2 =	vmul.f32 v2, v4;
	_ =	sdelay $0x1  }
0xfe: {  	v1 =	vadd.f32 v2, v1;
	v2 =	vmul.f32 v56, v5;
	_ =	sdelay $0x1  }
0xff: {  	v1 =	vadd.f32 v2, v1;
	v2 =	vmul.f32 v57, v8;
	_ =	sdelay $0x1  }
0x100: {  	v1 =	vadd.f32 v2, v1;
	_ =	sdelay $0x1  }
0x101: {  	(xrf2) =	vadd.scan.msk.f32 $0xffff, v1;
	_ =	sdelay $0x9  }
0x102: {  	v1, _, _ =	vpop (xrf2)  }
0x103: {  	[tilespmem:s30+$0xFFFFFFF0] =	vst v1  }
0x104: {  	v1 =	vld [tilespmem:s29+$0xFFFFFFE0]  }
0x105: {  	v2 =	vld [tilespmem:s29+$0xFFFFFFF0];
	_ =	sdelay $0x1  }
0x106: {  	v58 =	vld [tilespmem:s29+$0x0];
	_ =	sdelay $0x1  }
0x107: {  	v59 =	vld [tilespmem:s29+$0x10]  }
0x108: {  	v1 =	vmul.f32 v1, v3;
	v2 =	vmul.f32 v2, v4;
	_ =	sdelay $0x1  }
0x109: {  	v1 =	vadd.f32 v2, v1;
	v2 =	vmul.f32 v58, v5;
	_ =	sdelay $0x1  }
0x10a: {  	v1 =	vadd.f32 v2, v1;
	v2 =	vmul.f32 v59, v8;
	_ =	sdelay $0x1  }
0x10b: {  	v1 =	vadd.f32 v2, v1;
	_ =	sdelay $0x1  }
0x10c: {  	(xrf2) =	vadd.scan.msk.f32 $0xffff, v1;
	_ =	sdelay $0x9  }
0x10d: {  	v1, _, _ =	vpop (xrf2)  }
0x10e: {  	[tilespmem:s30+$0x0] =	vst v1  }
0x10f: {  	v1 =	vld [tilespmem:s29+$0x20]  }
0x110: {  	v2 =	vld [tilespmem:s29+$0x30];
	_ =	sdelay $0x1  }
0x111: {  	v60 =	vld [tilespmem:s29+$0x40];
	_ =	sdelay $0x1  }
0x112: {  	v61 =	vld [tilespmem:s29+$0x50]  }
0x113: {  	v1 =	vmul.f32 v1, v3;
	v2 =	vmul.f32 v2, v4;
	_ =	sdelay $0x1  }
0x114: {  	v1 =	vadd.f32 v2, v1;
	v2 =	vmul.f32 v60, v5;
	_ =	sdelay $0x1  }
0x115: {  	v1 =	vadd.f32 v2, v1;
	v2 =	vmul.f32 v61, v8;
	_ =	sdelay $0x1  }
0x116: {  	v1 =	vadd.f32 v2, v1;
	_ =	sdelay $0x1  }
0x117: {  	(xrf2) =	vadd.scan.msk.f32 $0xffff, v1;
	_ =	sdelay $0x9  }
0x118: {  	v1, _, _ =	vpop (xrf2)  }
0x119: {  	[tilespmem:s30+$0x10] =	vst v1  }
0x11a: {  	v1 =	vld [tilespmem:s29+$0x60]  }
0x11b: {  	v2 =	vld [tilespmem:s29+$0x70];
	_ =	sdelay $0x1  }
0x11c: {  	v62 =	vld [tilespmem:s29+$0x80];
	_ =	sdelay $0x1  }
0x11d: {  	v63 =	vld [tilespmem:s29+$0x90]  }
0x11e: {  	v1 =	vmul.f32 v1, v3;
	v2 =	vmul.f32 v2, v4;
	_ =	sdelay $0x1  }
0x11f: {  	v1 =	vadd.f32 v2, v1;
	v2 =	vmul.f32 v62, v5;
	_ =	sdelay $0x1  }
0x120: {  	v1 =	vadd.f32 v2, v1;
	v2 =	vmul.f32 v63, v8;
	_ =	sdelay $0x1  }
0x121: {  	v1 =	vadd.f32 v2, v1;
	_ =	sdelay $0x1  }
0x122: {  	s31 =	simm.s32 $0xCC20;
	s0 =	simm.s32 $0x100;
	s1 =	simm.s32 $0x0;
	(xrf2) =	vadd.scan.msk.f32 $0xffff, v1  }
.LBB2_6:
0x123: {  	_ = 	snop  }
0x124: {  	p0 =	sne.s32 s0, $0x7F00;
	s29 =	sadd.s32 $0x140, s29;
	s30 =	sadd.s32 $0x50, s30  }
0x125: {  	s13 =	smov.u32 s0;
	s0 =	sadd.s32 $0x100, s0;
	_ =	sdelay $0x5  }
0x126: {  	s13 =	sshra.s32 s13, $0x2  }
0x127: {  	v1, _, _ =	vpop (xrf2)  }
0x128: {  	[tilespmem:s31+$0x20] =	vst v1;
	s31 =	smov.u32 s30  }
0x129: {  	v5 =	vld [tilespmem:s29+$0xFFFFFF60]  }
0x12a: {  	v6 =	vld [tilespmem:s29+$0xFFFFFF70]  }
0x12b: {  	v2 =	vld [tilespmem:s13+$0xC00]  }
0x12c: {  	v3 =	vld [tilespmem:s13+$0xC10]  }
0x12d: {  	v1 =	vld [tilespmem:s13+$0xC20]  }
0x12e: {  	v7 =	vld [tilespmem:s29+$0xFFFFFF80]  }
0x12f: {  	v8 =	vld [tilespmem:s29+$0xFFFFFF90]  }
0x130: {  	v4 =	vld [tilespmem:s13+$0xC30];
	v5 =	vmul.f32 v5, v2  }
0x131: {  	v6 =	vmul.f32 v6, v3;
	_ =	sdelay $0x1  }
0x132: {  	v5 =	vadd.f32 v6, v5;
	v6 =	vmul.f32 v7, v1;
	_ =	sdelay $0x1  }
0x133: {  	v5 =	vadd.f32 v6, v5;
	v6 =	vmul.f32 v8, v4;
	_ =	sdelay $0x1  }
0x134: {  	v5 =	vadd.f32 v6, v5;
	_ =	sdelay $0x1  }
0x135: {  	(xrf2) =	vadd.scan.msk.f32 $0xffff, v5;
	_ =	sdelay $0x9  }
0x136: {  	v5, _, _ =	vpop (xrf2)  }
0x137: {  	[tilespmem:s30+$0xFFFFFFE0] =	vst v5  }
0x138: {  	v5 =	vld [tilespmem:s29+$0xFFFFFFA0]  }
0x139: {  	v6 =	vld [tilespmem:s29+$0xFFFFFFB0];
	_ =	sdelay $0x1  }
0x13a: {  	v7 =	vld [tilespmem:s29+$0xFFFFFFC0];
	_ =	sdelay $0x1  }
0x13b: {  	v5 =	vmul.f32 v5, v2;
	v8 =	vld [tilespmem:s29+$0xFFFFFFD0]  }
0x13c: {  	v6 =	vmul.f32 v6, v3;
	_ =	sdelay $0x1  }
0x13d: {  	v5 =	vadd.f32 v6, v5;
	v6 =	vmul.f32 v7, v1;
	_ =	sdelay $0x1  }
0x13e: {  	v5 =	vadd.f32 v6, v5;
	v6 =	vmul.f32 v8, v4;
	_ =	sdelay $0x1  }
0x13f: {  	v5 =	vadd.f32 v6, v5;
	_ =	sdelay $0x1  }
0x140: {  	(xrf2) =	vadd.scan.msk.f32 $0xffff, v5;
	_ =	sdelay $0x9  }
0x141: {  	v5, _, _ =	vpop (xrf2)  }
0x142: {  	[tilespmem:s30+$0xFFFFFFF0] =	vst v5  }
0x143: {  	v5 =	vld [tilespmem:s29+$0xFFFFFFE0]  }
0x144: {  	v6 =	vld [tilespmem:s29+$0xFFFFFFF0];
	_ =	sdelay $0x1  }
0x145: {  	v7 =	vld [tilespmem:s29+$0x0];
	_ =	sdelay $0x1  }
0x146: {  	v5 =	vmul.f32 v5, v2;
	v8 =	vld [tilespmem:s29+$0x10]  }
0x147: {  	v6 =	vmul.f32 v6, v3;
	_ =	sdelay $0x1  }
0x148: {  	v5 =	vadd.f32 v6, v5;
	v6 =	vmul.f32 v7, v1;
	_ =	sdelay $0x1  }
0x149: {  	v5 =	vadd.f32 v6, v5;
	v6 =	vmul.f32 v8, v4;
	_ =	sdelay $0x1  }
0x14a: {  	v5 =	vadd.f32 v6, v5;
	_ =	sdelay $0x1  }
0x14b: {  	(xrf2) =	vadd.scan.msk.f32 $0xffff, v5;
	_ =	sdelay $0x9  }
0x14c: {  	v5, _, _ =	vpop (xrf2)  }
0x14d: {  	[tilespmem:s30+$0x0] =	vst v5  }
0x14e: {  	v5 =	vld [tilespmem:s29+$0x20]  }
0x14f: {  	v6 =	vld [tilespmem:s29+$0x30]  }
0x150: {  	v7 =	vld [tilespmem:s29+$0x40]  }
0x151: {  	v8 =	vld [tilespmem:s29+$0x50];
	_ =	sdelay $0x1  }
0x152: {  	v5 =	vmul.f32 v5, v2  }
0x153: {  	v6 =	vmul.f32 v6, v3;
	_ =	sdelay $0x1  }
0x154: {  	v5 =	vadd.f32 v6, v5;
	v6 =	vmul.f32 v7, v1;
	_ =	sdelay $0x1  }
0x155: {  	v5 =	vadd.f32 v6, v5;
	v6 =	vmul.f32 v8, v4;
	_ =	sdelay $0x1  }
0x156: {  	v5 =	vadd.f32 v6, v5;
	_ =	sdelay $0x1  }
0x157: {  	(xrf2) =	vadd.scan.msk.f32 $0xffff, v5;
	_ =	sdelay $0x9  }
0x158: {  	v5, _, _ =	vpop (xrf2)  }
0x159: {  	[tilespmem:s30+$0x10] =	vst v5  }
0x15a: {  	v5 =	vld [tilespmem:s29+$0x60]  }
0x15b: {  	v6 =	vld [tilespmem:s29+$0x70]  }
0x15c: {  	v7 =	vld [tilespmem:s29+$0x80]  }
0x15d: {  	v8 =	vld [tilespmem:s29+$0x90];
	_ =	sdelay $0x1  }
0x15e: {  	v2 =	vmul.f32 v5, v2  }
0x15f: {  	v3 =	vmul.f32 v6, v3;
	_ =	sdelay $0x1  }
0x160: {  	v1 =	vmul.f32 v7, v1;
	v2 =	vadd.f32 v3, v2;
	_ =	sdelay $0x1  }
.Ltmp2:
0x161: {  	v1 =	vadd.f32 v1, v2;
	v2 =	vmul.f32 v8, v4;
	(pc) =	sbr.rel @p0 .LBB2_6-.Ltmp2, $3  }
0x162: {  	_ = 	snop  }
0x163: {  	v1 =	vadd.f32 v2, v1;
	_ =	sdelay $0x1  }
0x164: {  	(xrf2) =	vadd.scan.msk.f32 $0xffff, v1  }
0x165: {  	_ =	sdelay $0x2  }
0x166: {  	v1 =	vmov s1  }
0x167: {  	v1 =	vshll.u32 v1, $0x4  }
0x168: {  	v1 =	vor.u32 v0, v1  }
0x169: {  	v1 =	vor.u32 $0xF, v1;
	_ =	sdelay $0x2  }
0x16a: {  	v2, _, _ =	vpop (xrf2)  }
0x16b: {  	s0 =	simm.s32 $0x10;
	[tilespmem:s31+$0x20] =	vst v2  }
0x16c: {  	v3 =	vld.idx.msk [tilespmem:v1+s22+$0x0], $0xffff;
	v1 =	vmov s0  }
0x16d: {  	v1 =	vshll.u32 v1, $0x4  }
0x16e: {  	v1 =	vor.u32 v0, v1  }
0x16f: {  	v1 =	vor.u32 $0xF, v1;
	_ =	sdelay $0x2  }
0x170: {  	s31 =	simm.s32 $0x20;
	s0 =	simm.s32 $0xF680  }
0x171: {  	s1 =	simm.s32 $0x30;
	v2 =	vmov s31;
	[tilespmem:s0+$0x0] =	vst v3  }
.LBB2_8:
0x172: {  	p0 =	sne.s32 s1, $0x270;
	v2 =	vshll.u32 v2, $0x4;
	v3 =	vld.idx.msk [tilespmem:v1+s22+$0x0], $0xffff  }
0x173: {  	v1 =	vor.u32 v0, v2  }
.Ltmp3:
0x174: {  	v1 =	vor.u32 $0xF, v1;
	(pc) =	sbr.rel @p0 .LBB2_8-.Ltmp3, $3  }
0x175: {  	_ =	sdelay $0x1  }
0x176: {  	s0 =	sadd.s32 $0x10, s0  }
0x177: {  	v2 =	vmov s1;
	s1 =	sadd.s32 $0x10, s1;
	[tilespmem:s0+$0x0] =	vst v3  }
0x178: {  	_ =	sdelay $0x2  }
0x179: {  	v2 =	vshll.u32 v2, $0x4  }
0x17a: {  	v1 =	vld.idx.msk [tilespmem:v1+s22+$0x0], $0xffff;
	v2 =	vor.u32 v0, v2  }
0x17b: {  	v2 =	vor.u32 $0xF, v2;
	_ =	sdelay $0x2  }
0x17c: {  	s0 =	sadd.s32 $0x10, s0  }
0x17d: {  	[tilespmem:s0+$0x0] =	vst v1  }
0x17e: {  	v1 =	vld.idx.msk [tilespmem:v2+s22+$0x0], $0xffff;
	_ =	sdelay $0x3  }
0x17f: {  	s0 =	sadd.s32 $0x10, s0  }
0x180: {  	s13 =	simm.s32 $0x100;
	[tilespmem:s0+$0x0] =	vst v1  }
0x181: {  	[tilespmem:s11], [sflag:$0x1] =	stream.indirect.gather [hbm4b:s3+s10], $0x40, s13, s10, $0xb8;
	[tilespmem:$0xFE00] =	vst v63  }
0x182: {  	s1 =	simm.s32 $0x700  }
0x183: {  	[tilespmem:s12], [sflag:$0x1] =	stream.indirect.gather [hbm4b:s3+s10], $0x40, s1, s10, $0xb8;
	[tilespmem:$0xFE00] =	vst v63  }
0x184: {  	s13 =	simm.s32 $0x780  }
0x185: {  	[tilespmem:s14], [sflag:$0x1] =	stream.indirect.gather [hbm4b:s3+s10], $0x40, s13, s10, $0xb8;
	[tilespmem:$0xFE00] =	vst v63  }
0x186: {  	s1 =	simm.s32 $0x800  }
0x187: {  	[tilespmem:s16], [sflag:$0x1] =	stream.indirect.gather [hbm4b:s3+s10], $0x40, s1, s10, $0xb8;
	[tilespmem:$0xFE00] =	vst v63  }
0x188: {  	s13 =	simm.s32 $0x880  }
0x189: {  	[tilespmem:s18], [sflag:$0x1] =	stream.indirect.gather [hbm4b:s3+s10], $0x40, s13, s10, $0xb8;
	[tilespmem:$0xFE00] =	vst v63  }
0x18a: {  	s1 =	simm.s32 $0x900  }
0x18b: {  	[tilespmem:s20], [sflag:$0x1] =	stream.indirect.gather [hbm4b:s3+s10], $0x40, s1, s10, $0xb8;
	[tilespmem:$0xFE00] =	vst v63  }
0x18c: {  	_ =	swait.ge [sflag:s21], $0x2000  }
0x18d: {  	[sflag:s21] =	ssyncset.done $0x0  }
0x18e: {  	[sflag:s21] =	ssyncadd.s32 $0xFFFFE000  }
0x18f: {  	_ =	swait.ge [sflag:s21], $0x2000  }
0x190: {  	[sflag:s21] =	ssyncset.done $0x0  }
0x191: {  	[sflag:s21] =	ssyncadd.s32 $0xFFFFE000  }
0x192: {  	_ =	swait.ge [sflag:s21], $0x2000  }
0x193: {  	[sflag:s21] =	ssyncset.done $0x0  }
0x194: {  	[sflag:s21] =	ssyncadd.s32 $0xFFFFE000  }
0x195: {  	_ =	swait.ge [sflag:s21], $0x2000  }
0x196: {  	[sflag:s21] =	ssyncset.done $0x0  }
0x197: {  	[sflag:s21] =	ssyncadd.s32 $0xFFFFE000  }
0x198: {  	_ =	swait.ge [sflag:s21], $0x2000  }
0x199: {  	[sflag:s21] =	ssyncset.done $0x0  }
0x19a: {  	[sflag:s21] =	ssyncadd.s32 $0xFFFFE000  }
0x19b: {  	_ =	swait.ge [sflag:s21], $0x2000  }
0x19c: {  	[sflag:s21] =	ssyncset.done $0x0  }
0x19d: {  	s29 =	simm.s32 $0x2CA0;
	[sflag:s21] =	ssyncadd.s32 $0xFFFFE000  }
0x19e: {  	v1 =	vld [tilespmem:s29+$0xFFFFFF60]  }
0x19f: {  	s13 =	simm.s32 $0x0;
	v2 =	vld [tilespmem:s29+$0xFFFFFF70]  }
0x1a0: {  	v3 =	vld [tilespmem:s13+$0xC00]  }
0x1a1: {  	v4 =	vld [tilespmem:s13+$0xC10]  }
0x1a2: {  	v5 =	vld [tilespmem:s13+$0xC20]  }
0x1a3: {  	v6 =	vld [tilespmem:s29+$0xFFFFFF80]  }
0x1a4: {  	v7 =	vld [tilespmem:s29+$0xFFFFFF90]  }
0x1a5: {  	v8 =	vld [tilespmem:s13+$0xC30]  }
0x1a6: {  	v1 =	vmul.f32 v1, v3;
	v2 =	vmul.f32 v2, v4;
	_ =	sdelay $0x1  }
0x1a7: {  	v1 =	vadd.f32 v2, v1;
	v2 =	vmul.f32 v6, v5;
	_ =	sdelay $0x1  }
0x1a8: {  	v1 =	vadd.f32 v2, v1;
	v2 =	vmul.f32 v7, v8;
	_ =	sdelay $0x1  }
0x1a9: {  	v1 =	vadd.f32 v2, v1;
	_ =	sdelay $0x1  }
0x1aa: {  	(xrf2) =	vadd.scan.msk.f32 $0xffff, v1;
	_ =	sdelay $0x9  }
0x1ab: {  	s30 =	simm.s32 $0xCC20;
	v1, _, _ =	vpop (xrf2)  }
0x1ac: {  	[tilespmem:s30+$0xFFFFFFE0] =	vst v1  }
0x1ad: {  	v1 =	vld [tilespmem:s29+$0xFFFFFFA0]  }
0x1ae: {  	v2 =	vld [tilespmem:s29+$0xFFFFFFB0];
	_ =	sdelay $0x1  }
0x1af: {  	v56 =	vld [tilespmem:s29+$0xFFFFFFC0];
	_ =	sdelay $0x1  }
0x1b0: {  	v57 =	vld [tilespmem:s29+$0xFFFFFFD0]  }
0x1b1: {  	v1 =	vmul.f32 v1, v3;
	v2 =	vmul.f32 v2, v4;
	_ =	sdelay $0x1  }
0x1b2: {  	v1 =	vadd.f32 v2, v1;
	v2 =	vmul.f32 v56, v5;
	_ =	sdelay $0x1  }
0x1b3: {  	v1 =	vadd.f32 v2, v1;
	v2 =	vmul.f32 v57, v8;
	_ =	sdelay $0x1  }
0x1b4: {  	v1 =	vadd.f32 v2, v1;
	_ =	sdelay $0x1  }
0x1b5: {  	(xrf2) =	vadd.scan.msk.f32 $0xffff, v1;
	_ =	sdelay $0x9  }
0x1b6: {  	v1, _, _ =	vpop (xrf2)  }
0x1b7: {  	[tilespmem:s30+$0xFFFFFFF0] =	vst v1  }
0x1b8: {  	v1 =	vld [tilespmem:s29+$0xFFFFFFE0]  }
0x1b9: {  	v2 =	vld [tilespmem:s29+$0xFFFFFFF0];
	_ =	sdelay $0x1  }
0x1ba: {  	v58 =	vld [tilespmem:s29+$0x0];
	_ =	sdelay $0x1  }
0x1bb: {  	v59 =	vld [tilespmem:s29+$0x10]  }
0x1bc: {  	v1 =	vmul.f32 v1, v3;
	v2 =	vmul.f32 v2, v4;
	_ =	sdelay $0x1  }
0x1bd: {  	v1 =	vadd.f32 v2, v1;
	v2 =	vmul.f32 v58, v5;
	_ =	sdelay $0x1  }
0x1be: {  	v1 =	vadd.f32 v2, v1;
	v2 =	vmul.f32 v59, v8;
	_ =	sdelay $0x1  }
0x1bf: {  	v1 =	vadd.f32 v2, v1;
	_ =	sdelay $0x1  }
0x1c0: {  	(xrf2) =	vadd.scan.msk.f32 $0xffff, v1;
	_ =	sdelay $0x9  }
0x1c1: {  	v1, _, _ =	vpop (xrf2)  }
0x1c2: {  	[tilespmem:s30+$0x0] =	vst v1  }
0x1c3: {  	v1 =	vld [tilespmem:s29+$0x20]  }
0x1c4: {  	v2 =	vld [tilespmem:s29+$0x30];
	_ =	sdelay $0x1  }
0x1c5: {  	v60 =	vld [tilespmem:s29+$0x40];
	_ =	sdelay $0x1  }
0x1c6: {  	v61 =	vld [tilespmem:s29+$0x50]  }
0x1c7: {  	v1 =	vmul.f32 v1, v3;
	v2 =	vmul.f32 v2, v4;
	_ =	sdelay $0x1  }
0x1c8: {  	v1 =	vadd.f32 v2, v1;
	v2 =	vmul.f32 v60, v5;
	_ =	sdelay $0x1  }
0x1c9: {  	v1 =	vadd.f32 v2, v1;
	v2 =	vmul.f32 v61, v8;
	_ =	sdelay $0x1  }
0x1ca: {  	v1 =	vadd.f32 v2, v1;
	_ =	sdelay $0x1  }
0x1cb: {  	(xrf2) =	vadd.scan.msk.f32 $0xffff, v1;
	_ =	sdelay $0x9  }
0x1cc: {  	v1, _, _ =	vpop (xrf2)  }
0x1cd: {  	[tilespmem:s30+$0x10] =	vst v1  }
0x1ce: {  	v1 =	vld [tilespmem:s29+$0x60]  }
0x1cf: {  	v2 =	vld [tilespmem:s29+$0x70];
	_ =	sdelay $0x1  }
0x1d0: {  	v62 =	vld [tilespmem:s29+$0x80];
	_ =	sdelay $0x1  }
0x1d1: {  	v63 =	vld [tilespmem:s29+$0x90]  }
0x1d2: {  	v1 =	vmul.f32 v1, v3;
	v2 =	vmul.f32 v2, v4;
	_ =	sdelay $0x1  }
0x1d3: {  	v1 =	vadd.f32 v2, v1;
	v2 =	vmul.f32 v62, v5;
	_ =	sdelay $0x1  }
0x1d4: {  	v1 =	vadd.f32 v2, v1;
	v2 =	vmul.f32 v63, v8;
	_ =	sdelay $0x1  }
0x1d5: {  	v1 =	vadd.f32 v2, v1;
	_ =	sdelay $0x1  }
0x1d6: {  	s31 =	simm.s32 $0xCC20;
	s0 =	simm.s32 $0x100;
	s1 =	simm.s32 $0x0;
	(xrf2) =	vadd.scan.msk.f32 $0xffff, v1  }
.LBB2_10:
0x1d7: {  	_ = 	snop  }
0x1d8: {  	p0 =	sne.s32 s0, $0x7F00;
	s29 =	sadd.s32 $0x140, s29;
	s30 =	sadd.s32 $0x50, s30  }
0x1d9: {  	s13 =	smov.u32 s0;
	s0 =	sadd.s32 $0x100, s0;
	_ =	sdelay $0x5  }
0x1da: {  	s13 =	sshra.s32 s13, $0x2  }
0x1db: {  	v1, _, _ =	vpop (xrf2)  }
0x1dc: {  	[tilespmem:s31+$0x20] =	vst v1;
	s31 =	smov.u32 s30  }
0x1dd: {  	v5 =	vld [tilespmem:s29+$0xFFFFFF60]  }
0x1de: {  	v6 =	vld [tilespmem:s29+$0xFFFFFF70]  }
0x1df: {  	v2 =	vld [tilespmem:s13+$0xC00]  }
0x1e0: {  	v3 =	vld [tilespmem:s13+$0xC10]  }
0x1e1: {  	v1 =	vld [tilespmem:s13+$0xC20]  }
0x1e2: {  	v7 =	vld [tilespmem:s29+$0xFFFFFF80]  }
0x1e3: {  	v8 =	vld [tilespmem:s29+$0xFFFFFF90]  }
0x1e4: {  	v4 =	vld [tilespmem:s13+$0xC30];
	v5 =	vmul.f32 v5, v2  }
0x1e5: {  	v6 =	vmul.f32 v6, v3;
	_ =	sdelay $0x1  }
0x1e6: {  	v5 =	vadd.f32 v6, v5;
	v6 =	vmul.f32 v7, v1;
	_ =	sdelay $0x1  }
0x1e7: {  	v5 =	vadd.f32 v6, v5;
	v6 =	vmul.f32 v8, v4;
	_ =	sdelay $0x1  }
0x1e8: {  	v5 =	vadd.f32 v6, v5;
	_ =	sdelay $0x1  }
0x1e9: {  	(xrf2) =	vadd.scan.msk.f32 $0xffff, v5;
	_ =	sdelay $0x9  }
0x1ea: {  	v5, _, _ =	vpop (xrf2)  }
0x1eb: {  	[tilespmem:s30+$0xFFFFFFE0] =	vst v5  }
0x1ec: {  	v5 =	vld [tilespmem:s29+$0xFFFFFFA0]  }
0x1ed: {  	v6 =	vld [tilespmem:s29+$0xFFFFFFB0];
	_ =	sdelay $0x1  }
0x1ee: {  	v7 =	vld [tilespmem:s29+$0xFFFFFFC0];
	_ =	sdelay $0x1  }
0x1ef: {  	v5 =	vmul.f32 v5, v2;
	v8 =	vld [tilespmem:s29+$0xFFFFFFD0]  }
0x1f0: {  	v6 =	vmul.f32 v6, v3;
	_ =	sdelay $0x1  }
0x1f1: {  	v5 =	vadd.f32 v6, v5;
	v6 =	vmul.f32 v7, v1;
	_ =	sdelay $0x1  }
0x1f2: {  	v5 =	vadd.f32 v6, v5;
	v6 =	vmul.f32 v8, v4;
	_ =	sdelay $0x1  }
0x1f3: {  	v5 =	vadd.f32 v6, v5;
	_ =	sdelay $0x1  }
0x1f4: {  	(xrf2) =	vadd.scan.msk.f32 $0xffff, v5;
	_ =	sdelay $0x9  }
0x1f5: {  	v5, _, _ =	vpop (xrf2)  }
0x1f6: {  	[tilespmem:s30+$0xFFFFFFF0] =	vst v5  }
0x1f7: {  	v5 =	vld [tilespmem:s29+$0xFFFFFFE0]  }
0x1f8: {  	v6 =	vld [tilespmem:s29+$0xFFFFFFF0];
	_ =	sdelay $0x1  }
0x1f9: {  	v7 =	vld [tilespmem:s29+$0x0];
	_ =	sdelay $0x1  }
0x1fa: {  	v5 =	vmul.f32 v5, v2;
	v8 =	vld [tilespmem:s29+$0x10]  }
0x1fb: {  	v6 =	vmul.f32 v6, v3;
	_ =	sdelay $0x1  }
0x1fc: {  	v5 =	vadd.f32 v6, v5;
	v6 =	vmul.f32 v7, v1;
	_ =	sdelay $0x1  }
0x1fd: {  	v5 =	vadd.f32 v6, v5;
	v6 =	vmul.f32 v8, v4;
	_ =	sdelay $0x1  }
0x1fe: {  	v5 =	vadd.f32 v6, v5;
	_ =	sdelay $0x1  }
0x1ff: {  	(xrf2) =	vadd.scan.msk.f32 $0xffff, v5;
	_ =	sdelay $0x9  }
0x200: {  	v5, _, _ =	vpop (xrf2)  }
0x201: {  	[tilespmem:s30+$0x0] =	vst v5  }
0x202: {  	v5 =	vld [tilespmem:s29+$0x20]  }
0x203: {  	v6 =	vld [tilespmem:s29+$0x30]  }
0x204: {  	v7 =	vld [tilespmem:s29+$0x40]  }
0x205: {  	v8 =	vld [tilespmem:s29+$0x50];
	_ =	sdelay $0x1  }
0x206: {  	v5 =	vmul.f32 v5, v2  }
0x207: {  	v6 =	vmul.f32 v6, v3;
	_ =	sdelay $0x1  }
0x208: {  	v5 =	vadd.f32 v6, v5;
	v6 =	vmul.f32 v7, v1;
	_ =	sdelay $0x1  }
0x209: {  	v5 =	vadd.f32 v6, v5;
	v6 =	vmul.f32 v8, v4;
	_ =	sdelay $0x1  }
0x20a: {  	v5 =	vadd.f32 v6, v5;
	_ =	sdelay $0x1  }
0x20b: {  	(xrf2) =	vadd.scan.msk.f32 $0xffff, v5;
	_ =	sdelay $0x9  }
0x20c: {  	v5, _, _ =	vpop (xrf2)  }
0x20d: {  	[tilespmem:s30+$0x10] =	vst v5  }
0x20e: {  	v5 =	vld [tilespmem:s29+$0x60]  }
0x20f: {  	v6 =	vld [tilespmem:s29+$0x70]  }
0x210: {  	v7 =	vld [tilespmem:s29+$0x80]  }
0x211: {  	v8 =	vld [tilespmem:s29+$0x90];
	_ =	sdelay $0x1  }
0x212: {  	v2 =	vmul.f32 v5, v2  }
0x213: {  	v3 =	vmul.f32 v6, v3;
	_ =	sdelay $0x1  }
0x214: {  	v1 =	vmul.f32 v7, v1;
	v2 =	vadd.f32 v3, v2;
	_ =	sdelay $0x1  }
.Ltmp4:
0x215: {  	v1 =	vadd.f32 v1, v2;
	v2 =	vmul.f32 v8, v4;
	(pc) =	sbr.rel @p0 .LBB2_10-.Ltmp4, $3  }
0x216: {  	_ = 	snop  }
0x217: {  	v1 =	vadd.f32 v2, v1;
	_ =	sdelay $0x1  }
0x218: {  	(xrf2) =	vadd.scan.msk.f32 $0xffff, v1  }
0x219: {  	_ =	sdelay $0x2  }
0x21a: {  	v1 =	vmov s1  }
0x21b: {  	v1 =	vshll.u32 v1, $0x4  }
0x21c: {  	v1 =	vor.u32 v0, v1  }
0x21d: {  	v1 =	vor.u32 $0xF, v1;
	_ =	sdelay $0x2  }
0x21e: {  	v2, _, _ =	vpop (xrf2)  }
0x21f: {  	s0 =	simm.s32 $0x10;
	[tilespmem:s31+$0x20] =	vst v2  }
0x220: {  	v3 =	vld.idx.msk [tilespmem:v1+s22+$0x0], $0xffff;
	v1 =	vmov s0  }
0x221: {  	v1 =	vshll.u32 v1, $0x4  }
0x222: {  	v1 =	vor.u32 v0, v1  }
0x223: {  	v1 =	vor.u32 $0xF, v1;
	_ =	sdelay $0x2  }
0x224: {  	s31 =	simm.s32 $0x20;
	s0 =	simm.s32 $0xF900  }
0x225: {  	s1 =	simm.s32 $0x30;
	v2 =	vmov s31;
	[tilespmem:s0+$0x0] =	vst v3  }
.LBB2_12:
0x226: {  	p0 =	sne.s32 s1, $0x270;
	v2 =	vshll.u32 v2, $0x4;
	v3 =	vld.idx.msk [tilespmem:v1+s22+$0x0], $0xffff  }
0x227: {  	v1 =	vor.u32 v0, v2  }
.Ltmp5:
0x228: {  	v1 =	vor.u32 $0xF, v1;
	(pc) =	sbr.rel @p0 .LBB2_12-.Ltmp5, $3  }
0x229: {  	_ =	sdelay $0x1  }
0x22a: {  	s0 =	sadd.s32 $0x10, s0  }
0x22b: {  	v2 =	vmov s1;
	s1 =	sadd.s32 $0x10, s1;
	[tilespmem:s0+$0x0] =	vst v3  }
0x22c: {  	_ =	sdelay $0x2  }
0x22d: {  	v2 =	vshll.u32 v2, $0x4  }
0x22e: {  	v1 =	vld.idx.msk [tilespmem:v1+s22+$0x0], $0xffff;
	v2 =	vor.u32 v0, v2  }
0x22f: {  	v2 =	vor.u32 $0xF, v2;
	_ =	sdelay $0x2  }
0x230: {  	s0 =	sadd.s32 $0x10, s0  }
0x231: {  	[tilespmem:s0+$0x0] =	vst v1  }
0x232: {  	v1 =	vld.idx.msk [tilespmem:v2+s22+$0x0], $0xffff;
	_ =	sdelay $0x3  }
0x233: {  	s0 =	sadd.s32 $0x10, s0  }
0x234: {  	[tilespmem:s0+$0x0] =	vst v1  }
0x235: {  	[tilespmem:s11], [sflag:$0x1] =	stream.indirect.gather [hbm4b:s3+s10], $0x40, s15, s10, $0xb8;
	[tilespmem:$0xFE00] =	vst v63  }
0x236: {  	_ = 	snop  }
0x237: {  	[tilespmem:s12], [sflag:$0x1] =	stream.indirect.gather [hbm4b:s3+s10], $0x40, s17, s10, $0xb8;
	[tilespmem:$0xFE00] =	vst v63  }
0x238: {  	_ = 	snop  }
0x239: {  	[tilespmem:s14], [sflag:$0x1] =	stream.indirect.gather [hbm4b:s3+s10], $0x40, s19, s10, $0xb8;
	[tilespmem:$0xFE00] =	vst v63  }
0x23a: {  	_ = 	snop  }
0x23b: {  	[tilespmem:s16], [sflag:$0x1] =	stream.indirect.gather [hbm4b:s3+s10], $0x40, s23, s10, $0xb8;
	[tilespmem:$0xFE00] =	vst v63  }
0x23c: {  	_ = 	snop  }
0x23d: {  	[tilespmem:s18], [sflag:$0x1] =	stream.indirect.gather [hbm4b:s3+s10], $0x40, s24, s10, $0xb8;
	[tilespmem:$0xFE00] =	vst v63  }
0x23e: {  	_ = 	snop  }
0x23f: {  	[tilespmem:s20], [sflag:$0x1] =	stream.indirect.gather [hbm4b:s3+s10], $0x40, s25, s10, $0xb8;
	[tilespmem:$0xFE00] =	vst v63  }
0x240: {  	_ =	swait.ge [sflag:s21], $0x2000  }
0x241: {  	[sflag:s21] =	ssyncset.done $0x0  }
0x242: {  	[sflag:s21] =	ssyncadd.s32 $0xFFFFE000  }
0x243: {  	_ =	swait.ge [sflag:s21], $0x2000  }
0x244: {  	[sflag:s21] =	ssyncset.done $0x0  }
0x245: {  	[sflag:s21] =	ssyncadd.s32 $0xFFFFE000  }
0x246: {  	_ =	swait.ge [sflag:s21], $0x2000  }
0x247: {  	[sflag:s21] =	ssyncset.done $0x0  }
0x248: {  	[sflag:s21] =	ssyncadd.s32 $0xFFFFE000  }
0x249: {  	_ =	swait.ge [sflag:s21], $0x2000  }
0x24a: {  	[sflag:s21] =	ssyncset.done $0x0  }
0x24b: {  	[sflag:s21] =	ssyncadd.s32 $0xFFFFE000  }
0x24c: {  	_ =	swait.ge [sflag:s21], $0x2000  }
0x24d: {  	[sflag:s21] =	ssyncset.done $0x0  }
0x24e: {  	[sflag:s21] =	ssyncadd.s32 $0xFFFFE000  }
0x24f: {  	_ =	swait.ge [sflag:s21], $0x2000  }
0x250: {  	[sflag:s21] =	ssyncset.done $0x0  }
0x251: {  	s29 =	simm.s32 $0x2CA0;
	[sflag:s21] =	ssyncadd.s32 $0xFFFFE000  }
0x252: {  	v1 =	vld [tilespmem:s29+$0xFFFFFF60]  }
0x253: {  	s13 =	simm.s32 $0x0;
	v2 =	vld [tilespmem:s29+$0xFFFFFF70]  }
0x254: {  	v3 =	vld [tilespmem:s13+$0xC00]  }
0x255: {  	v4 =	vld [tilespmem:s13+$0xC10]  }
0x256: {  	v5 =	vld [tilespmem:s13+$0xC20]  }
0x257: {  	v6 =	vld [tilespmem:s29+$0xFFFFFF80]  }
0x258: {  	v7 =	vld [tilespmem:s29+$0xFFFFFF90]  }
0x259: {  	v8 =	vld [tilespmem:s13+$0xC30]  }
0x25a: {  	v1 =	vmul.f32 v1, v3;
	v2 =	vmul.f32 v2, v4;
	_ =	sdelay $0x1  }
0x25b: {  	v1 =	vadd.f32 v2, v1;
	v2 =	vmul.f32 v6, v5;
	_ =	sdelay $0x1  }
0x25c: {  	v1 =	vadd.f32 v2, v1;
	v2 =	vmul.f32 v7, v8;
	_ =	sdelay $0x1  }
0x25d: {  	v1 =	vadd.f32 v2, v1;
	_ =	sdelay $0x1  }
0x25e: {  	(xrf2) =	vadd.scan.msk.f32 $0xffff, v1;
	_ =	sdelay $0x9  }
0x25f: {  	s30 =	simm.s32 $0xCC20;
	v1, _, _ =	vpop (xrf2)  }
0x260: {  	[tilespmem:s30+$0xFFFFFFE0] =	vst v1  }
0x261: {  	v1 =	vld [tilespmem:s29+$0xFFFFFFA0]  }
0x262: {  	v2 =	vld [tilespmem:s29+$0xFFFFFFB0];
	_ =	sdelay $0x1  }
0x263: {  	v56 =	vld [tilespmem:s29+$0xFFFFFFC0];
	_ =	sdelay $0x1  }
0x264: {  	v57 =	vld [tilespmem:s29+$0xFFFFFFD0]  }
0x265: {  	v1 =	vmul.f32 v1, v3;
	v2 =	vmul.f32 v2, v4;
	_ =	sdelay $0x1  }
0x266: {  	v1 =	vadd.f32 v2, v1;
	v2 =	vmul.f32 v56, v5;
	_ =	sdelay $0x1  }
0x267: {  	v1 =	vadd.f32 v2, v1;
	v2 =	vmul.f32 v57, v8;
	_ =	sdelay $0x1  }
0x268: {  	v1 =	vadd.f32 v2, v1;
	_ =	sdelay $0x1  }
0x269: {  	(xrf2) =	vadd.scan.msk.f32 $0xffff, v1;
	_ =	sdelay $0x9  }
0x26a: {  	v1, _, _ =	vpop (xrf2)  }
0x26b: {  	[tilespmem:s30+$0xFFFFFFF0] =	vst v1  }
0x26c: {  	v1 =	vld [tilespmem:s29+$0xFFFFFFE0]  }
0x26d: {  	v2 =	vld [tilespmem:s29+$0xFFFFFFF0];
	_ =	sdelay $0x1  }
0x26e: {  	v58 =	vld [tilespmem:s29+$0x0];
	_ =	sdelay $0x1  }
0x26f: {  	v59 =	vld [tilespmem:s29+$0x10]  }
0x270: {  	v1 =	vmul.f32 v1, v3;
	v2 =	vmul.f32 v2, v4;
	_ =	sdelay $0x1  }
0x271: {  	v1 =	vadd.f32 v2, v1;
	v2 =	vmul.f32 v58, v5;
	_ =	sdelay $0x1  }
0x272: {  	v1 =	vadd.f32 v2, v1;
	v2 =	vmul.f32 v59, v8;
	_ =	sdelay $0x1  }
0x273: {  	v1 =	vadd.f32 v2, v1;
	_ =	sdelay $0x1  }
0x274: {  	(xrf2) =	vadd.scan.msk.f32 $0xffff, v1;
	_ =	sdelay $0x9  }
0x275: {  	v1, _, _ =	vpop (xrf2)  }
0x276: {  	[tilespmem:s30+$0x0] =	vst v1  }
0x277: {  	v1 =	vld [tilespmem:s29+$0x20]  }
0x278: {  	v2 =	vld [tilespmem:s29+$0x30];
	_ =	sdelay $0x1  }
0x279: {  	v60 =	vld [tilespmem:s29+$0x40];
	_ =	sdelay $0x1  }
0x27a: {  	v61 =	vld [tilespmem:s29+$0x50]  }
0x27b: {  	v1 =	vmul.f32 v1, v3;
	v2 =	vmul.f32 v2, v4;
	_ =	sdelay $0x1  }
0x27c: {  	v1 =	vadd.f32 v2, v1;
	v2 =	vmul.f32 v60, v5;
	_ =	sdelay $0x1  }
0x27d: {  	v1 =	vadd.f32 v2, v1;
	v2 =	vmul.f32 v61, v8;
	_ =	sdelay $0x1  }
0x27e: {  	v1 =	vadd.f32 v2, v1;
	_ =	sdelay $0x1  }
0x27f: {  	(xrf2) =	vadd.scan.msk.f32 $0xffff, v1;
	_ =	sdelay $0x9  }
0x280: {  	v1, _, _ =	vpop (xrf2)  }
0x281: {  	[tilespmem:s30+$0x10] =	vst v1  }
0x282: {  	v1 =	vld [tilespmem:s29+$0x60]  }
0x283: {  	v2 =	vld [tilespmem:s29+$0x70];
	_ =	sdelay $0x1  }
0x284: {  	v62 =	vld [tilespmem:s29+$0x80];
	_ =	sdelay $0x1  }
0x285: {  	v63 =	vld [tilespmem:s29+$0x90]  }
0x286: {  	v1 =	vmul.f32 v1, v3;
	v2 =	vmul.f32 v2, v4;
	_ =	sdelay $0x1  }
0x287: {  	v1 =	vadd.f32 v2, v1;
	v2 =	vmul.f32 v62, v5;
	_ =	sdelay $0x1  }
0x288: {  	v1 =	vadd.f32 v2, v1;
	v2 =	vmul.f32 v63, v8;
	_ =	sdelay $0x1  }
0x289: {  	v1 =	vadd.f32 v2, v1;
	_ =	sdelay $0x1  }
0x28a: {  	s1 =	simm.s32 $0x0;
	s31 =	simm.s32 $0xCC20;
	s0 =	simm.s32 $0x100;
	(xrf2) =	vadd.scan.msk.f32 $0xffff, v1  }
.LBB2_14:
0x28b: {  	_ = 	snop  }
0x28c: {  	p0 =	sne.s32 s0, $0x7F00;
	s29 =	sadd.s32 $0x140, s29;
	s30 =	sadd.s32 $0x50, s30  }
0x28d: {  	s13 =	smov.u32 s0;
	s0 =	sadd.s32 $0x100, s0;
	_ =	sdelay $0x5  }
0x28e: {  	s13 =	sshra.s32 s13, $0x2  }
0x28f: {  	v1, _, _ =	vpop (xrf2)  }
0x290: {  	[tilespmem:s31+$0x20] =	vst v1;
	s31 =	smov.u32 s30  }
0x291: {  	v5 =	vld [tilespmem:s29+$0xFFFFFF60]  }
0x292: {  	v6 =	vld [tilespmem:s29+$0xFFFFFF70]  }
0x293: {  	v2 =	vld [tilespmem:s13+$0xC00]  }
0x294: {  	v3 =	vld [tilespmem:s13+$0xC10]  }
0x295: {  	v1 =	vld [tilespmem:s13+$0xC20]  }
0x296: {  	v7 =	vld [tilespmem:s29+$0xFFFFFF80]  }
0x297: {  	v8 =	vld [tilespmem:s29+$0xFFFFFF90]  }
0x298: {  	v4 =	vld [tilespmem:s13+$0xC30];
	v5 =	vmul.f32 v5, v2  }
0x299: {  	v6 =	vmul.f32 v6, v3;
	_ =	sdelay $0x1  }
0x29a: {  	v5 =	vadd.f32 v6, v5;
	v6 =	vmul.f32 v7, v1;
	_ =	sdelay $0x1  }
0x29b: {  	v5 =	vadd.f32 v6, v5;
	v6 =	vmul.f32 v8, v4;
	_ =	sdelay $0x1  }
0x29c: {  	v5 =	vadd.f32 v6, v5;
	_ =	sdelay $0x1  }
0x29d: {  	(xrf2) =	vadd.scan.msk.f32 $0xffff, v5;
	_ =	sdelay $0x9  }
0x29e: {  	v5, _, _ =	vpop (xrf2)  }
0x29f: {  	[tilespmem:s30+$0xFFFFFFE0] =	vst v5  }
0x2a0: {  	v5 =	vld [tilespmem:s29+$0xFFFFFFA0]  }
0x2a1: {  	v6 =	vld [tilespmem:s29+$0xFFFFFFB0];
	_ =	sdelay $0x1  }
0x2a2: {  	v7 =	vld [tilespmem:s29+$0xFFFFFFC0];
	_ =	sdelay $0x1  }
0x2a3: {  	v5 =	vmul.f32 v5, v2;
	v8 =	vld [tilespmem:s29+$0xFFFFFFD0]  }
0x2a4: {  	v6 =	vmul.f32 v6, v3;
	_ =	sdelay $0x1  }
0x2a5: {  	v5 =	vadd.f32 v6, v5;
	v6 =	vmul.f32 v7, v1;
	_ =	sdelay $0x1  }
0x2a6: {  	v5 =	vadd.f32 v6, v5;
	v6 =	vmul.f32 v8, v4;
	_ =	sdelay $0x1  }
0x2a7: {  	v5 =	vadd.f32 v6, v5;
	_ =	sdelay $0x1  }
0x2a8: {  	(xrf2) =	vadd.scan.msk.f32 $0xffff, v5;
	_ =	sdelay $0x9  }
0x2a9: {  	v5, _, _ =	vpop (xrf2)  }
0x2aa: {  	[tilespmem:s30+$0xFFFFFFF0] =	vst v5  }
0x2ab: {  	v5 =	vld [tilespmem:s29+$0xFFFFFFE0]  }
0x2ac: {  	v6 =	vld [tilespmem:s29+$0xFFFFFFF0];
	_ =	sdelay $0x1  }
0x2ad: {  	v7 =	vld [tilespmem:s29+$0x0];
	_ =	sdelay $0x1  }
0x2ae: {  	v5 =	vmul.f32 v5, v2;
	v8 =	vld [tilespmem:s29+$0x10]  }
0x2af: {  	v6 =	vmul.f32 v6, v3;
	_ =	sdelay $0x1  }
0x2b0: {  	v5 =	vadd.f32 v6, v5;
	v6 =	vmul.f32 v7, v1;
	_ =	sdelay $0x1  }
0x2b1: {  	v5 =	vadd.f32 v6, v5;
	v6 =	vmul.f32 v8, v4;
	_ =	sdelay $0x1  }
0x2b2: {  	v5 =	vadd.f32 v6, v5;
	_ =	sdelay $0x1  }
0x2b3: {  	(xrf2) =	vadd.scan.msk.f32 $0xffff, v5;
	_ =	sdelay $0x9  }
0x2b4: {  	v5, _, _ =	vpop (xrf2)  }
0x2b5: {  	[tilespmem:s30+$0x0] =	vst v5  }
0x2b6: {  	v5 =	vld [tilespmem:s29+$0x20]  }
0x2b7: {  	v6 =	vld [tilespmem:s29+$0x30]  }
0x2b8: {  	v7 =	vld [tilespmem:s29+$0x40]  }
0x2b9: {  	v8 =	vld [tilespmem:s29+$0x50];
	_ =	sdelay $0x1  }
0x2ba: {  	v5 =	vmul.f32 v5, v2  }
0x2bb: {  	v6 =	vmul.f32 v6, v3;
	_ =	sdelay $0x1  }
0x2bc: {  	v5 =	vadd.f32 v6, v5;
	v6 =	vmul.f32 v7, v1;
	_ =	sdelay $0x1  }
0x2bd: {  	v5 =	vadd.f32 v6, v5;
	v6 =	vmul.f32 v8, v4;
	_ =	sdelay $0x1  }
0x2be: {  	v5 =	vadd.f32 v6, v5;
	_ =	sdelay $0x1  }
0x2bf: {  	(xrf2) =	vadd.scan.msk.f32 $0xffff, v5;
	_ =	sdelay $0x9  }
0x2c0: {  	v5, _, _ =	vpop (xrf2)  }
0x2c1: {  	[tilespmem:s30+$0x10] =	vst v5  }
0x2c2: {  	v5 =	vld [tilespmem:s29+$0x60]  }
0x2c3: {  	v6 =	vld [tilespmem:s29+$0x70]  }
0x2c4: {  	v7 =	vld [tilespmem:s29+$0x80]  }
0x2c5: {  	v8 =	vld [tilespmem:s29+$0x90];
	_ =	sdelay $0x1  }
0x2c6: {  	v2 =	vmul.f32 v5, v2  }
0x2c7: {  	v3 =	vmul.f32 v6, v3;
	_ =	sdelay $0x1  }
0x2c8: {  	v1 =	vmul.f32 v7, v1;
	v2 =	vadd.f32 v3, v2;
	_ =	sdelay $0x1  }
.Ltmp6:
0x2c9: {  	v1 =	vadd.f32 v1, v2;
	v2 =	vmul.f32 v8, v4;
	(pc) =	sbr.rel @p0 .LBB2_14-.Ltmp6, $3  }
0x2ca: {  	_ = 	snop  }
0x2cb: {  	v1 =	vadd.f32 v2, v1;
	_ =	sdelay $0x1  }
0x2cc: {  	(xrf2) =	vadd.scan.msk.f32 $0xffff, v1  }
0x2cd: {  	_ =	sdelay $0x2  }
0x2ce: {  	v1 =	vmov s1  }
0x2cf: {  	v1 =	vshll.u32 v1, $0x4  }
0x2d0: {  	v1 =	vor.u32 v0, v1  }
0x2d1: {  	v1 =	vor.u32 $0xF, v1;
	_ =	sdelay $0x2  }
0x2d2: {  	v2, _, _ =	vpop (xrf2)  }
0x2d3: {  	s0 =	simm.s32 $0x10;
	[tilespmem:s31+$0x20] =	vst v2  }
0x2d4: {  	v3 =	vld.idx.msk [tilespmem:v1+s22+$0x0], $0xffff;
	v1 =	vmov s0  }
0x2d5: {  	v1 =	vshll.u32 v1, $0x4  }
0x2d6: {  	v1 =	vor.u32 v0, v1  }
0x2d7: {  	v1 =	vor.u32 $0xF, v1;
	_ =	sdelay $0x2  }
0x2d8: {  	s31 =	simm.s32 $0x20;
	s0 =	simm.s32 $0xFB80  }
0x2d9: {  	s1 =	simm.s32 $0x30;
	v2 =	vmov s31;
	[tilespmem:s0+$0x0] =	vst v3  }
.LBB2_16:
0x2da: {  	p0 =	sne.s32 s1, $0x270;
	v2 =	vshll.u32 v2, $0x4;
	v3 =	vld.idx.msk [tilespmem:v1+s22+$0x0], $0xffff  }
0x2db: {  	v1 =	vor.u32 v0, v2  }
.Ltmp7:
0x2dc: {  	v1 =	vor.u32 $0xF, v1;
	(pc) =	sbr.rel @p0 .LBB2_16-.Ltmp7, $3  }
0x2dd: {  	_ =	sdelay $0x1  }
0x2de: {  	s0 =	sadd.s32 $0x10, s0  }
0x2df: {  	v2 =	vmov s1;
	s1 =	sadd.s32 $0x10, s1;
	[tilespmem:s0+$0x0] =	vst v3  }
0x2e0: {  	_ =	sdelay $0x2  }
0x2e1: {  	v2 =	vshll.u32 v2, $0x4  }
0x2e2: {  	v1 =	vld.idx.msk [tilespmem:v1+s22+$0x0], $0xffff;
	v2 =	vor.u32 v0, v2  }
0x2e3: {  	v2 =	vor.u32 $0xF, v2;
	_ =	sdelay $0x2  }
0x2e4: {  	s0 =	sadd.s32 $0x10, s0  }
0x2e5: {  	[tilespmem:s0+$0x0] =	vst v1  }
0x2e6: {  	v1 =	vld.idx.msk [tilespmem:v2+s22+$0x0], $0xffff;
	_ =	sdelay $0x2  }
0x2e7: {  	s28 =	sadd.s32 $0x1, s28  }
0x2e8: {  	p0 =	sne.s32 s28, s7;
	s0 =	sadd.s32 $0x10, s0  }
.Ltmp8:
0x2e9: {  	[tilespmem:s0+$0x0] =	vst v1;
	(pc) =	sbr.rel @p0 .LBB2_1-.Ltmp8, $4  }
0x2ea: {  	[hbm4b:s6+s2] =	stream.linear.scatter [tilespmem:s26], [sflag:$0x2], $0xA00, $0x38;
	[tilespmem:$0xFE00] =	vst v63  }
0x2eb: {  	_ =	swait.ge [sflag:s8], $0xA00  }
0x2ec: {  	[sflag:s8] =	ssyncset.done $0x0  }
0x2ed: {  	[sflag:s8] =	ssyncadd.s32 $0xFFFFF600  }
0x2ee: {  	_ =	sfence.sel $0x180000  }
0x2ef: {  	[bflag:$0x0] =	sbarrier.arrive $0xFFFF  }
0x2f0: {  	_ =	strace $0x90000047  }
0x2f1: {  	s0 =	stileid.u32;
	[bflag:$0x2] =	sbarrier.arrive $0xFFFF  }
0x2f2: {  	p0 =	sne.s32 s0, $0x0;
	s0 =	rddreg [dreg:$0x3]  }
0x2f3: {  	s0 =	sadd.s32 @!p0 $0x100000, s0  }
0x2f4: {  	[sflag:s0] =	ssyncadd.tile.s32 @!p0 $0x1;
	_ =	shalt  }
.Lfunc_end2:
_tile_overlayer_lowered:
.L_overlay_start_2:
0x2f5: {  	(tag) =	ssettag $0x2  }
0x2f6: {  	s0 =	rddreg [dreg:$0x0];
	s2 =	stileid.u32  }
0x2f7: {  	s1 =	rddreg [dreg:$0x1];
	p0 =	sne.s32 s2, $0x0  }
0x2f8: {  	s3 =	rddreg [dreg:$0x2];
	[bflag:$0x3] =	sbarrier.arrive $0xFFFF;
	s2 =	simm.s32 @!p0 $0x1C02  }
0x2f9: {  	[timem:s3], [sflag:s2] =	dma.local @!p0 [hbm:s0], s1  }
0x2fa: {  	s0 =	simm.s32 @!p0 $0x2  }
0x2fb: {  	_ =	swait.ge @!p0 [sflag:s0], s1  }
0x2fc: {  	s1 =	ssub.s32 @!p0 $0x0, s1;
	[sflag:s0] =	ssyncset.done @!p0 $0x0  }
0x2fd: {  	[sflag:s0] =	ssyncadd.s32 @!p0 s1  }
0x2fe: {  	[bflag:$0x3] =	sbarrier.arrive $0xFFFF  }
0x2ff: {  	_ =	shalt  }

</sc_bundles>
